<compile_context>
chip_gen: v7x
topology: tpu7x:2x2x1
jax: 0.10.2.dev20260603
libtpu: 0.0.44.dev20260713+nightly
codegen_flags: <defaults>
</compile_context>

<pallas_src>
import functools

import jax
import jax.numpy as jnp
from jax import lax
from jax.experimental import pallas as pl
from jax.experimental.pallas import tpu as pltpu
from jax.experimental.pallas import tpu_sc as plsc

DEPTH = 4
T = 1000
W = 128

_SC_CHUNK = 2000
_SC_ACTIVE = 25
_SC_WORKERS = 32


def _make_cnt_sc(N, B):
    mesh = plsc.VectorSubcoreMesh(core_axis_name="c", subcore_axis_name="s",
                                  num_cores=2, num_subcores=16)

    @functools.partial(
        pl.kernel,
        out_type=jax.ShapeDtypeStruct((_SC_WORKERS, B), jnp.float32),
        mesh=mesh,
        compiler_params=pltpu.CompilerParams(needs_layout_passes=False),
        scratch_types=[
            pltpu.VMEM((_SC_CHUNK,), jnp.int32),
            pltpu.VMEM((B,), jnp.float32),
        ],
    )
    def cnt_sc(ids_hbm, out_hbm, ids_v, acc_v):
        nc = mesh.num_cores
        wid = lax.axis_index("s") * nc + lax.axis_index("c")
        zero16 = jnp.zeros((16,), jnp.float32)
        for j in range(B // 16):
            acc_v[pl.ds(j * 16, 16)] = zero16

        @pl.when(wid < _SC_ACTIVE)
        def _count():
            pltpu.sync_copy(ids_hbm.at[pl.ds(wid * _SC_CHUNK, _SC_CHUNK)],
                            ids_v)
            ones16 = jnp.ones((16,), jnp.float32)

            def step(k, _):
                idx = ids_v[pl.ds(k * 16, 16)]
                plsc.addupdate_scatter(acc_v, [idx], ones16)
                return 0

            lax.fori_loop(0, _SC_CHUNK // 16, step, 0)

        pltpu.sync_copy(acc_v, out_hbm.at[wid])

    return cnt_sc


def _main_body(ids_ref, nodes_ref, Wv_ref, bv_ref, Wacat_ref, bacat_ref,
               Walb_ref, sumhv_ref, wsum_ref, scal_ref):
    pid = pl.program_id(0)

    @pl.when(pid == 0)
    def _init():
        sumhv_ref[...] = jnp.zeros_like(sumhv_ref)
        wsum_ref[...] = jnp.zeros_like(wsum_ref)
        scal_ref[...] = jnp.zeros_like(scal_ref)

    ids_row = ids_ref[0]
    lo = ids_ref[0, 0, 0]
    hi = ids_ref[0, 0, T - 1]

    hv = jnp.maximum(
        jnp.dot(nodes_ref[...], Wv_ref[...],
                preferred_element_type=jnp.float32) + bv_ref[...], 0.0)
    hvb = hv.astype(jnp.bfloat16)
    att = jnp.maximum(
        jnp.dot(hvb, Wacat_ref[...],
                preferred_element_type=jnp.float32) + bacat_ref[...], 0.0)
    attb = att.astype(jnp.bfloat16)
    s4 = jnp.dot(hv, Walb_ref[...], preferred_element_type=jnp.float32)
    e4t = jnp.exp(s4).T
    e4tb = e4t.astype(jnp.bfloat16)

    base0 = (lo // W) * W
    nchunks = hi // W - lo // W + 1

    def chunk(c, _):
        base = base0 + c * W
        win = base + lax.broadcasted_iota(jnp.int32, (W, T), 0)
        M = (ids_row == win).astype(jnp.bfloat16)
        sumhv_ref[pl.ds(base, W), :] += jnp.dot(
            M, hvb, preferred_element_type=jnp.float32)
        for i in range(DEPTH):
            Me = M * e4tb[i:i + 1, :]
            wsum_ref[i, pl.ds(base, W), :] += jnp.dot(
                Me, attb[:, i * 256:(i + 1) * 256],
                preferred_element_type=jnp.float32)
            scal_ref[pl.ds(base, W), 1 + i:2 + i] += jnp.sum(
                Me.astype(jnp.float32), axis=1, keepdims=True)
        return 0

    lax.fori_loop(0, nchunks, chunk, 0)


def _finish_body(sumhv_ref, wsum_ref, scal_ref, cntp_ref, gk_ref, grk_ref,
                 gb_ref, out_ref):
    cnt = jnp.transpose(jnp.sum(cntp_ref[...], axis=0, keepdims=True))
    hm = sumhv_ref[...] / jnp.maximum(cnt, 1.0)
    for i in range(DEPTH):
        esum = scal_ref[:, 1 + i:2 + i]
        mm = wsum_ref[i] / (esum + 1e-9)
        mm = jnp.where(mm > 0.0, mm, jnp.exp(jnp.minimum(mm, 0.0)) - 1.0)
        mx = jnp.dot(mm, gk_ref[...],
                     preferred_element_type=jnp.float32) + gb_ref[0:1, :]
        mh = jnp.dot(hm, grk_ref[...],
                     preferred_element_type=jnp.float32) + gb_ref[1:2, :]
        z = jax.nn.sigmoid(mx[:, 0:256] + mh[:, 0:256])
        r = jax.nn.sigmoid(mx[:, 256:512] + mh[:, 256:512])
        hh = jnp.tanh(mx[:, 512:768] + r * mh[:, 512:768])
        hm = jnp.maximum(z * hm + (1.0 - z) * hh, 0.0)
    out_ref[...] = hm


def kernel(count_nodes, nodes, batch_id, Wv, bv, Wa, ba, Wal, bal, gru_k,
           gru_rk, gru_b):
    N, F = nodes.shape
    B = count_nodes.shape[0]
    U = Wv.shape[1]
    nb = N // T

    ids32 = batch_id.astype(jnp.int32)
    ids3 = ids32.reshape(nb, 1, T)
    cntp = _make_cnt_sc(N, B)(ids32)
    Wacat = jnp.transpose(Wa, (1, 0, 2)).reshape(F, DEPTH * U).astype(
        jnp.bfloat16)
    bacat = ba.reshape(1, DEPTH * U)
    Walb = jnp.transpose(Wal[:, U:, 0])
    bv_row = bv.reshape(1, U)

    sumhv, wsum, scal = pl.pallas_call(
        _main_body,
        grid=(nb,),
        in_specs=[
            pl.BlockSpec((1, 1, T), lambda i: (i, 0, 0)),
            pl.BlockSpec((T, F), lambda i: (i, 0)),
            pl.BlockSpec((F, U), lambda i: (0, 0)),
            pl.BlockSpec((1, U), lambda i: (0, 0)),
            pl.BlockSpec((F, DEPTH * U), lambda i: (0, 0)),
            pl.BlockSpec((1, DEPTH * U), lambda i: (0, 0)),
            pl.BlockSpec((F, DEPTH), lambda i: (0, 0)),
        ],
        out_specs=[
            pl.BlockSpec((B, U), lambda i: (0, 0)),
            pl.BlockSpec((DEPTH, B, U), lambda i: (0, 0, 0)),
            pl.BlockSpec((B, 8), lambda i: (0, 0)),
        ],
        out_shape=[
            jax.ShapeDtypeStruct((B, U), jnp.float32),
            jax.ShapeDtypeStruct((DEPTH, B, U), jnp.float32),
            jax.ShapeDtypeStruct((B, 8), jnp.float32),
        ],
    )(ids3, nodes, Wv, bv_row, Wacat, bacat, Walb)

    out = pl.pallas_call(
        _finish_body,
        out_shape=jax.ShapeDtypeStruct((B, U), jnp.float32),
    )(sumhv, wsum, scal, cntp, gru_k, gru_rk, gru_b)
    return out

# --- scband reference (transcript-rebuilt; emitter-appended) ---
"""Pipeline reference for scband-ham-net-fingerprint-generator-24953759989870 (READ-ONLY COPY).

The authoritative reference and input builder live on the scoring server;
editing this copy changes nothing except your own understanding.
"""

import jax, jax.numpy as jnp
import numpy as np

DEPTH = 4
UNITS = 256
F_IN = 256
N = 50000
B = 1024


def _glorot(key, shape):
    fan_in, fan_out = shape[-2], shape[-1]
    lim = np.sqrt(6.0 / (fan_in + fan_out))
    return jax.random.uniform(key, shape, jnp.float32, -lim, lim)


def setup_inputs(seed: int = 0):
    key = jax.random.key(seed)
    k = jax.random.split(key, 10)
    inp = {}
    inp["count_nodes"] = jax.random.randint(k[0], (B,), 1, 50)
    inp["nodes"] = jax.random.normal(k[1], (N, F_IN), jnp.float32)
    inp["batch_id"] = jnp.sort(jax.random.randint(k[2], (N,), 0, B))
    inp["Wv"] = _glorot(k[3], (F_IN, UNITS))
    inp["bv"] = jnp.zeros((UNITS,), jnp.float32)
    inp["Wa"] = _glorot(k[4], (DEPTH, UNITS, UNITS))
    inp["ba"] = jnp.zeros((DEPTH, UNITS), jnp.float32)
    inp["Wal"] = _glorot(k[5], (DEPTH, 2 * UNITS, 1))
    inp["bal"] = jnp.zeros((DEPTH, 1), jnp.float32)
    inp["gru_k"] = _glorot(k[6], (UNITS, 3 * UNITS))
    inp["gru_rk"] = _glorot(k[7], (UNITS, 3 * UNITS))
    inp["gru_b"] = jnp.zeros((2, 3 * UNITS), jnp.float32)
    return inp


def _forward(nodes, Wv, bv, Wa, ba, Wal, bal, gru_k, gru_rk, gru_b, batch_id, num_graphs):
    # vertex2mol dense
    hv = jax.nn.relu(nodes @ Wv + bv)
    # initial state: mean pooling over nodes per graph
    seg_sum = jax.ops.segment_sum(hv, batch_id, num_segments=num_graphs)
    cnt = jax.ops.segment_sum(jnp.ones((hv.shape[0],), jnp.float32), batch_id, num_segments=num_graphs)
    hm = seg_sum / jnp.maximum(cnt, 1.0)[:, None]
    for i in range(DEPTH):
        # HamNetGlobalReadoutAttend
        hm_v = hm[batch_id]                                   # GatherState
        attend = jax.nn.relu(hv @ Wa[i] + ba[i])              # dense_attend
        align = jnp.concatenate([hm_v, hv], axis=-1) @ Wal[i] + bal[i]  # dense_align -> ([N],1)
        # PoolingNodesAttention: segment softmax over align, weighted sum of attend
        amax = jax.ops.segment_max(align, batch_id, num_segments=num_graphs)
        amax = jnp.where(jnp.isfinite(amax), amax, 0.0)
        e = jnp.exp(align - amax[batch_id])
        esum = jax.ops.segment_sum(e, batch_id, num_segments=num_graphs)
        alpha = e / (esum[batch_id] + 1e-9)
        mm = jax.ops.segment_sum(alpha * attend, batch_id, num_segments=num_graphs)
        mm = jax.nn.elu(mm)                                   # final_activ of readout (activation_last='elu')
        # GRUCell update (reset_after=True, recurrent_activation=sigmoid, activation=tanh)
        mx = mm @ gru_k + gru_b[0]
        xz, xr, xh = jnp.split(mx, 3, axis=-1)
        mh = hm @ gru_rk + gru_b[1]
        rz, rr, rh = jnp.split(mh, 3, axis=-1)
        z = jax.nn.sigmoid(xz + rz)
        r = jax.nn.sigmoid(xr + rr)
        hh = jnp.tanh(xh + r * rh)
        hm = z * hm + (1.0 - z) * hh
        hm = jax.nn.relu(hm)                                  # final activation per iteration
    return hm


def reference(count_nodes, nodes, batch_id, Wv, bv, Wa, ba, Wal, bal, gru_k, gru_rk, gru_b):
    num_graphs = count_nodes.shape[0]
    return _forward(nodes, Wv, bv, Wa, ba, Wal, bal, gru_k, gru_rk, gru_b, batch_id, num_graphs)

if __name__ == "__main__":
    import jax
    _d = setup_inputs()
    print(jax.jit(kernel)(*tuple(_d.values())))

</pallas_src>

<mosaic_0001>
#map = affine_map<(d0, d1) -> (0)>
#map1 = affine_map<(d0, d1) -> (0, 0)>
module attributes {stable_mosaic.version = 14 : i64} {
  func.func @cnt_sc(%arg0: i32, %arg1: i32, %arg2: memref<50000xi32, #tpu.memory_space<hbm>>, %arg3: memref<32x1024xf32, #tpu.memory_space<hbm>>, %arg4: memref<2000xi32, #tpu.memory_space<vmem>>, %arg5: memref<1024xf32, #tpu.memory_space<vmem>>) attributes {dimension_semantics = [#tpu.dimension_semantics<core_parallel>, #tpu.dimension_semantics<subcore_parallel>], iteration_bounds = array<i64: 2, 16>, scalar_prefetch = 0 : i64, scratch_operands = 2 : i64, tpu.core_type = #tpu.core_type<sc_vector_subcore>, window_params = [{transform_indices = #map}, {transform_indices = #map1}]} {
    %mul3A = arith.constant 2 : i32
    %mul3A_0 = arith.muli %arg1, %mul3A : i32
    %add3A = arith.addi %mul3A_0, %arg0 : i32
    %broadcast_in_dim3A = arith.constant 0.000000e+00 : f32
    %broadcast_in_dim3A_1 = vector.broadcast %broadcast_in_dim3A : f32 to vector<16xf32>
    %swap3A = arith.constant 0 : index
    %swap3A_2 = tpu.vector_load %arg5[%swap3A] {strides = array<i32>} : memref<1024xf32, #tpu.memory_space<vmem>>, vector<16xf32>,
    tpu.vector_store %arg5[%swap3A], %broadcast_in_dim3A_1 {strides = array<i32>} : memref<1024xf32, #tpu.memory_space<vmem>>, vector<16xf32>,
    %swap3A_3 = arith.constant 16 : index
    %swap3A_4 = tpu.vector_load %arg5[%swap3A_3] {strides = array<i32>} : memref<1024xf32, #tpu.memory_space<vmem>>, vector<16xf32>,
    tpu.vector_store %arg5[%swap3A_3], %broadcast_in_dim3A_1 {strides = array<i32>} : memref<1024xf32, #tpu.memory_space<vmem>>, vector<16xf32>,
    %swap3A_5 = arith.constant 32 : index
    %swap3A_6 = tpu.vector_load %arg5[%swap3A_5] {strides = array<i32>} : memref<1024xf32, #tpu.memory_space<vmem>>, vector<16xf32>,
    tpu.vector_store %arg5[%swap3A_5], %broadcast_in_dim3A_1 {strides = array<i32>} : memref<1024xf32, #tpu.memory_space<vmem>>, vector<16xf32>,
    %swap3A_7 = arith.constant 48 : index
    %swap3A_8 = tpu.vector_load %arg5[%swap3A_7] {strides = array<i32>} : memref<1024xf32, #tpu.memory_space<vmem>>, vector<16xf32>,
    tpu.vector_store %arg5[%swap3A_7], %broadcast_in_dim3A_1 {strides = array<i32>} : memref<1024xf32, #tpu.memory_space<vmem>>, vector<16xf32>,
    %swap3A_9 = arith.constant 64 : index
    %swap3A_10 = tpu.vector_load %arg5[%swap3A_9] {strides = array<i32>} : memref<1024xf32, #tpu.memory_space<vmem>>, vector<16xf32>,
    tpu.vector_store %arg5[%swap3A_9], %broadcast_in_dim3A_1 {strides = array<i32>} : memref<1024xf32, #tpu.memory_space<vmem>>, vector<16xf32>,
    %swap3A_11 = arith.constant 80 : index
    %swap3A_12 = tpu.vector_load %arg5[%swap3A_11] {strides = array<i32>} : memref<1024xf32, #tpu.memory_space<vmem>>, vector<16xf32>,
    tpu.vector_store %arg5[%swap3A_11], %broadcast_in_dim3A_1 {strides = array<i32>} : memref<1024xf32, #tpu.memory_space<vmem>>, vector<16xf32>,
    %swap3A_13 = arith.constant 96 : index
    %swap3A_14 = tpu.vector_load %arg5[%swap3A_13] {strides = array<i32>} : memref<1024xf32, #tpu.memory_space<vmem>>, vector<16xf32>,
    tpu.vector_store %arg5[%swap3A_13], %broadcast_in_dim3A_1 {strides = array<i32>} : memref<1024xf32, #tpu.memory_space<vmem>>, vector<16xf32>,
    %swap3A_15 = arith.constant 112 : index
    %swap3A_16 = tpu.vector_load %arg5[%swap3A_15] {strides = array<i32>} : memref<1024xf32, #tpu.memory_space<vmem>>, vector<16xf32>,
    tpu.vector_store %arg5[%swap3A_15], %broadcast_in_dim3A_1 {strides = array<i32>} : memref<1024xf32, #tpu.memory_space<vmem>>, vector<16xf32>,
    %swap3A_17 = arith.constant 128 : index
    %swap3A_18 = tpu.vector_load %arg5[%swap3A_17] {strides = array<i32>} : memref<1024xf32, #tpu.memory_space<vmem>>, vector<16xf32>,
    tpu.vector_store %arg5[%swap3A_17], %broadcast_in_dim3A_1 {strides = array<i32>} : memref<1024xf32, #tpu.memory_space<vmem>>, vector<16xf32>,
    %swap3A_19 = arith.constant 144 : index
    %swap3A_20 = tpu.vector_load %arg5[%swap3A_19] {strides = array<i32>} : memref<1024xf32, #tpu.memory_space<vmem>>, vector<16xf32>,
    tpu.vector_store %arg5[%swap3A_19], %broadcast_in_dim3A_1 {strides = array<i32>} : memref<1024xf32, #tpu.memory_space<vmem>>, vector<16xf32>,
    %swap3A_21 = arith.constant 160 : index
    %swap3A_22 = tpu.vector_load %arg5[%swap3A_21] {strides = array<i32>} : memref<1024xf32, #tpu.memory_space<vmem>>, vector<16xf32>,
    tpu.vector_store %arg5[%swap3A_21], %broadcast_in_dim3A_1 {strides = array<i32>} : memref<1024xf32, #tpu.memory_space<vmem>>, vector<16xf32>,
    %swap3A_23 = arith.constant 176 : index
    %swap3A_24 = tpu.vector_load %arg5[%swap3A_23] {strides = array<i32>} : memref<1024xf32, #tpu.memory_space<vmem>>, vector<16xf32>,
    tpu.vector_store %arg5[%swap3A_23], %broadcast_in_dim3A_1 {strides = array<i32>} : memref<1024xf32, #tpu.memory_space<vmem>>, vector<16xf32>,
    %swap3A_25 = arith.constant 192 : index
    %swap3A_26 = tpu.vector_load %arg5[%swap3A_25] {strides = array<i32>} : memref<1024xf32, #tpu.memory_space<vmem>>, vector<16xf32>,
    tpu.vector_store %arg5[%swap3A_25], %broadcast_in_dim3A_1 {strides = array<i32>} : memref<1024xf32, #tpu.memory_space<vmem>>, vector<16xf32>,
    %swap3A_27 = arith.constant 208 : index
    %swap3A_28 = tpu.vector_load %arg5[%swap3A_27] {strides = array<i32>} : memref<1024xf32, #tpu.memory_space<vmem>>, vector<16xf32>,
    tpu.vector_store %arg5[%swap3A_27], %broadcast_in_dim3A_1 {strides = array<i32>} : memref<1024xf32, #tpu.memory_space<vmem>>, vector<16xf32>,
    %swap3A_29 = arith.constant 224 : index
    %swap3A_30 = tpu.vector_load %arg5[%swap3A_29] {strides = array<i32>} : memref<1024xf32, #tpu.memory_space<vmem>>, vector<16xf32>,
    tpu.vector_store %arg5[%swap3A_29], %broadcast_in_dim3A_1 {strides = array<i32>} : memref<1024xf32, #tpu.memory_space<vmem>>, vector<16xf32>,
    %swap3A_31 = arith.constant 240 : index
    %swap3A_32 = tpu.vector_load %arg5[%swap3A_31] {strides = array<i32>} : memref<1024xf32, #tpu.memory_space<vmem>>, vector<16xf32>,
    tpu.vector_store %arg5[%swap3A_31], %broadcast_in_dim3A_1 {strides = array<i32>} : memref<1024xf32, #tpu.memory_space<vmem>>, vector<16xf32>,
    %swap3A_33 = arith.constant 256 : index
    %swap3A_34 = tpu.vector_load %arg5[%swap3A_33] {strides = array<i32>} : memref<1024xf32, #tpu.memory_space<vmem>>, vector<16xf32>,
    tpu.vector_store %arg5[%swap3A_33], %broadcast_in_dim3A_1 {strides = array<i32>} : memref<1024xf32, #tpu.memory_space<vmem>>, vector<16xf32>,
    %swap3A_35 = arith.constant 272 : index
    %swap3A_36 = tpu.vector_load %arg5[%swap3A_35] {strides = array<i32>} : memref<1024xf32, #tpu.memory_space<vmem>>, vector<16xf32>,
    tpu.vector_store %arg5[%swap3A_35], %broadcast_in_dim3A_1 {strides = array<i32>} : memref<1024xf32, #tpu.memory_space<vmem>>, vector<16xf32>,
    %swap3A_37 = arith.constant 288 : index
    %swap3A_38 = tpu.vector_load %arg5[%swap3A_37] {strides = array<i32>} : memref<1024xf32, #tpu.memory_space<vmem>>, vector<16xf32>,
    tpu.vector_store %arg5[%swap3A_37], %broadcast_in_dim3A_1 {strides = array<i32>} : memref<1024xf32, #tpu.memory_space<vmem>>, vector<16xf32>,
    %swap3A_39 = arith.constant 304 : index
    %swap3A_40 = tpu.vector_load %arg5[%swap3A_39] {strides = array<i32>} : memref<1024xf32, #tpu.memory_space<vmem>>, vector<16xf32>,
    tpu.vector_store %arg5[%swap3A_39], %broadcast_in_dim3A_1 {strides = array<i32>} : memref<1024xf32, #tpu.memory_space<vmem>>, vector<16xf32>,
    %swap3A_41 = arith.constant 320 : index
    %swap3A_42 = tpu.vector_load %arg5[%swap3A_41] {strides = array<i32>} : memref<1024xf32, #tpu.memory_space<vmem>>, vector<16xf32>,
    tpu.vector_store %arg5[%swap3A_41], %broadcast_in_dim3A_1 {strides = array<i32>} : memref<1024xf32, #tpu.memory_space<vmem>>, vector<16xf32>,
    %swap3A_43 = arith.constant 336 : index
    %swap3A_44 = tpu.vector_load %arg5[%swap3A_43] {strides = array<i32>} : memref<1024xf32, #tpu.memory_space<vmem>>, vector<16xf32>,
    tpu.vector_store %arg5[%swap3A_43], %broadcast_in_dim3A_1 {strides = array<i32>} : memref<1024xf32, #tpu.memory_space<vmem>>, vector<16xf32>,
    %swap3A_45 = arith.constant 352 : index
    %swap3A_46 = tpu.vector_load %arg5[%swap3A_45] {strides = array<i32>} : memref<1024xf32, #tpu.memory_space<vmem>>, vector<16xf32>,
    tpu.vector_store %arg5[%swap3A_45], %broadcast_in_dim3A_1 {strides = array<i32>} : memref<1024xf32, #tpu.memory_space<vmem>>, vector<16xf32>,
    %swap3A_47 = arith.constant 368 : index
    %swap3A_48 = tpu.vector_load %arg5[%swap3A_47] {strides = array<i32>} : memref<1024xf32, #tpu.memory_space<vmem>>, vector<16xf32>,
    tpu.vector_store %arg5[%swap3A_47], %broadcast_in_dim3A_1 {strides = array<i32>} : memref<1024xf32, #tpu.memory_space<vmem>>, vector<16xf32>,
    %swap3A_49 = arith.constant 384 : index
    %swap3A_50 = tpu.vector_load %arg5[%swap3A_49] {strides = array<i32>} : memref<1024xf32, #tpu.memory_space<vmem>>, vector<16xf32>,
    tpu.vector_store %arg5[%swap3A_49], %broadcast_in_dim3A_1 {strides = array<i32>} : memref<1024xf32, #tpu.memory_space<vmem>>, vector<16xf32>,
    %swap3A_51 = arith.constant 400 : index
    %swap3A_52 = tpu.vector_load %arg5[%swap3A_51] {strides = array<i32>} : memref<1024xf32, #tpu.memory_space<vmem>>, vector<16xf32>,
    tpu.vector_store %arg5[%swap3A_51], %broadcast_in_dim3A_1 {strides = array<i32>} : memref<1024xf32, #tpu.memory_space<vmem>>, vector<16xf32>,
    %swap3A_53 = arith.constant 416 : index
    %swap3A_54 = tpu.vector_load %arg5[%swap3A_53] {strides = array<i32>} : memref<1024xf32, #tpu.memory_space<vmem>>, vector<16xf32>,
    tpu.vector_store %arg5[%swap3A_53], %broadcast_in_dim3A_1 {strides = array<i32>} : memref<1024xf32, #tpu.memory_space<vmem>>, vector<16xf32>,
    %swap3A_55 = arith.constant 432 : index
    %swap3A_56 = tpu.vector_load %arg5[%swap3A_55] {strides = array<i32>} : memref<1024xf32, #tpu.memory_space<vmem>>, vector<16xf32>,
    tpu.vector_store %arg5[%swap3A_55], %broadcast_in_dim3A_1 {strides = array<i32>} : memref<1024xf32, #tpu.memory_space<vmem>>, vector<16xf32>,
    %swap3A_57 = arith.constant 448 : index
    %swap3A_58 = tpu.vector_load %arg5[%swap3A_57] {strides = array<i32>} : memref<1024xf32, #tpu.memory_space<vmem>>, vector<16xf32>,
    tpu.vector_store %arg5[%swap3A_57], %broadcast_in_dim3A_1 {strides = array<i32>} : memref<1024xf32, #tpu.memory_space<vmem>>, vector<16xf32>,
    %swap3A_59 = arith.constant 464 : index
    %swap3A_60 = tpu.vector_load %arg5[%swap3A_59] {strides = array<i32>} : memref<1024xf32, #tpu.memory_space<vmem>>, vector<16xf32>,
    tpu.vector_store %arg5[%swap3A_59], %broadcast_in_dim3A_1 {strides = array<i32>} : memref<1024xf32, #tpu.memory_space<vmem>>, vector<16xf32>,
    %swap3A_61 = arith.constant 480 : index
    %swap3A_62 = tpu.vector_load %arg5[%swap3A_61] {strides = array<i32>} : memref<1024xf32, #tpu.memory_space<vmem>>, vector<16xf32>,
    tpu.vector_store %arg5[%swap3A_61], %broadcast_in_dim3A_1 {strides = array<i32>} : memref<1024xf32, #tpu.memory_space<vmem>>, vector<16xf32>,
    %swap3A_63 = arith.constant 496 : index
    %swap3A_64 = tpu.vector_load %arg5[%swap3A_63] {strides = array<i32>} : memref<1024xf32, #tpu.memory_space<vmem>>, vector<16xf32>,
    tpu.vector_store %arg5[%swap3A_63], %broadcast_in_dim3A_1 {strides = array<i32>} : memref<1024xf32, #tpu.memory_space<vmem>>, vector<16xf32>,
    %swap3A_65 = arith.constant 512 : index
    %swap3A_66 = tpu.vector_load %arg5[%swap3A_65] {strides = array<i32>} : memref<1024xf32, #tpu.memory_space<vmem>>, vector<16xf32>,
    tpu.vector_store %arg5[%swap3A_65], %broadcast_in_dim3A_1 {strides = array<i32>} : memref<1024xf32, #tpu.memory_space<vmem>>, vector<16xf32>,
    %swap3A_67 = arith.constant 528 : index
    %swap3A_68 = tpu.vector_load %arg5[%swap3A_67] {strides = array<i32>} : memref<1024xf32, #tpu.memory_space<vmem>>, vector<16xf32>,
    tpu.vector_store %arg5[%swap3A_67], %broadcast_in_dim3A_1 {strides = array<i32>} : memref<1024xf32, #tpu.memory_space<vmem>>, vector<16xf32>,
    %swap3A_69 = arith.constant 544 : index
    %swap3A_70 = tpu.vector_load %arg5[%swap3A_69] {strides = array<i32>} : memref<1024xf32, #tpu.memory_space<vmem>>, vector<16xf32>,
    tpu.vector_store %arg5[%swap3A_69], %broadcast_in_dim3A_1 {strides = array<i32>} : memref<1024xf32, #tpu.memory_space<vmem>>, vector<16xf32>,
    %swap3A_71 = arith.constant 560 : index
    %swap3A_72 = tpu.vector_load %arg5[%swap3A_71] {strides = array<i32>} : memref<1024xf32, #tpu.memory_space<vmem>>, vector<16xf32>,
    tpu.vector_store %arg5[%swap3A_71], %broadcast_in_dim3A_1 {strides = array<i32>} : memref<1024xf32, #tpu.memory_space<vmem>>, vector<16xf32>,
    %swap3A_73 = arith.constant 576 : index
    %swap3A_74 = tpu.vector_load %arg5[%swap3A_73] {strides = array<i32>} : memref<1024xf32, #tpu.memory_space<vmem>>, vector<16xf32>,
    tpu.vector_store %arg5[%swap3A_73], %broadcast_in_dim3A_1 {strides = array<i32>} : memref<1024xf32, #tpu.memory_space<vmem>>, vector<16xf32>,
    %swap3A_75 = arith.constant 592 : index
    %swap3A_76 = tpu.vector_load %arg5[%swap3A_75] {strides = array<i32>} : memref<1024xf32, #tpu.memory_space<vmem>>, vector<16xf32>,
    tpu.vector_store %arg5[%swap3A_75], %broadcast_in_dim3A_1 {strides = array<i32>} : memref<1024xf32, #tpu.memory_space<vmem>>, vector<16xf32>,
    %swap3A_77 = arith.constant 608 : index
    %swap3A_78 = tpu.vector_load %arg5[%swap3A_77] {strides = array<i32>} : memref<1024xf32, #tpu.memory_space<vmem>>, vector<16xf32>,
    tpu.vector_store %arg5[%swap3A_77], %broadcast_in_dim3A_1 {strides = array<i32>} : memref<1024xf32, #tpu.memory_space<vmem>>, vector<16xf32>,
    %swap3A_79 = arith.constant 624 : index
    %swap3A_80 = tpu.vector_load %arg5[%swap3A_79] {strides = array<i32>} : memref<1024xf32, #tpu.memory_space<vmem>>, vector<16xf32>,
    tpu.vector_store %arg5[%swap3A_79], %broadcast_in_dim3A_1 {strides = array<i32>} : memref<1024xf32, #tpu.memory_space<vmem>>, vector<16xf32>,
    %swap3A_81 = arith.constant 640 : index
    %swap3A_82 = tpu.vector_load %arg5[%swap3A_81] {strides = array<i32>} : memref<1024xf32, #tpu.memory_space<vmem>>, vector<16xf32>,
    tpu.vector_store %arg5[%swap3A_81], %broadcast_in_dim3A_1 {strides = array<i32>} : memref<1024xf32, #tpu.memory_space<vmem>>, vector<16xf32>,
    %swap3A_83 = arith.constant 656 : index
    %swap3A_84 = tpu.vector_load %arg5[%swap3A_83] {strides = array<i32>} : memref<1024xf32, #tpu.memory_space<vmem>>, vector<16xf32>,
    tpu.vector_store %arg5[%swap3A_83], %broadcast_in_dim3A_1 {strides = array<i32>} : memref<1024xf32, #tpu.memory_space<vmem>>, vector<16xf32>,
    %swap3A_85 = arith.constant 672 : index
    %swap3A_86 = tpu.vector_load %arg5[%swap3A_85] {strides = array<i32>} : memref<1024xf32, #tpu.memory_space<vmem>>, vector<16xf32>,
    tpu.vector_store %arg5[%swap3A_85], %broadcast_in_dim3A_1 {strides = array<i32>} : memref<1024xf32, #tpu.memory_space<vmem>>, vector<16xf32>,
    %swap3A_87 = arith.constant 688 : index
    %swap3A_88 = tpu.vector_load %arg5[%swap3A_87] {strides = array<i32>} : memref<1024xf32, #tpu.memory_space<vmem>>, vector<16xf32>,
    tpu.vector_store %arg5[%swap3A_87], %broadcast_in_dim3A_1 {strides = array<i32>} : memref<1024xf32, #tpu.memory_space<vmem>>, vector<16xf32>,
    %swap3A_89 = arith.constant 704 : index
    %swap3A_90 = tpu.vector_load %arg5[%swap3A_89] {strides = array<i32>} : memref<1024xf32, #tpu.memory_space<vmem>>, vector<16xf32>,
    tpu.vector_store %arg5[%swap3A_89], %broadcast_in_dim3A_1 {strides = array<i32>} : memref<1024xf32, #tpu.memory_space<vmem>>, vector<16xf32>,
    %swap3A_91 = arith.constant 720 : index
    %swap3A_92 = tpu.vector_load %arg5[%swap3A_91] {strides = array<i32>} : memref<1024xf32, #tpu.memory_space<vmem>>, vector<16xf32>,
    tpu.vector_store %arg5[%swap3A_91], %broadcast_in_dim3A_1 {strides = array<i32>} : memref<1024xf32, #tpu.memory_space<vmem>>, vector<16xf32>,
    %swap3A_93 = arith.constant 736 : index
    %swap3A_94 = tpu.vector_load %arg5[%swap3A_93] {strides = array<i32>} : memref<1024xf32, #tpu.memory_space<vmem>>, vector<16xf32>,
    tpu.vector_store %arg5[%swap3A_93], %broadcast_in_dim3A_1 {strides = array<i32>} : memref<1024xf32, #tpu.memory_space<vmem>>, vector<16xf32>,
    %swap3A_95 = arith.constant 752 : index
    %swap3A_96 = tpu.vector_load %arg5[%swap3A_95] {strides = array<i32>} : memref<1024xf32, #tpu.memory_space<vmem>>, vector<16xf32>,
    tpu.vector_store %arg5[%swap3A_95], %broadcast_in_dim3A_1 {strides = array<i32>} : memref<1024xf32, #tpu.memory_space<vmem>>, vector<16xf32>,
    %swap3A_97 = arith.constant 768 : index
    %swap3A_98 = tpu.vector_load %arg5[%swap3A_97] {strides = array<i32>} : memref<1024xf32, #tpu.memory_space<vmem>>, vector<16xf32>,
    tpu.vector_store %arg5[%swap3A_97], %broadcast_in_dim3A_1 {strides = array<i32>} : memref<1024xf32, #tpu.memory_space<vmem>>, vector<16xf32>,
    %swap3A_99 = arith.constant 784 : index
    %swap3A_100 = tpu.vector_load %arg5[%swap3A_99] {strides = array<i32>} : memref<1024xf32, #tpu.memory_space<vmem>>, vector<16xf32>,
    tpu.vector_store %arg5[%swap3A_99], %broadcast_in_dim3A_1 {strides = array<i32>} : memref<1024xf32, #tpu.memory_space<vmem>>, vector<16xf32>,
    %swap3A_101 = arith.constant 800 : index
    %swap3A_102 = tpu.vector_load %arg5[%swap3A_101] {strides = array<i32>} : memref<1024xf32, #tpu.memory_space<vmem>>, vector<16xf32>,
    tpu.vector_store %arg5[%swap3A_101], %broadcast_in_dim3A_1 {strides = array<i32>} : memref<1024xf32, #tpu.memory_space<vmem>>, vector<16xf32>,
    %swap3A_103 = arith.constant 816 : index
    %swap3A_104 = tpu.vector_load %arg5[%swap3A_103] {strides = array<i32>} : memref<1024xf32, #tpu.memory_space<vmem>>, vector<16xf32>,
    tpu.vector_store %arg5[%swap3A_103], %broadcast_in_dim3A_1 {strides = array<i32>} : memref<1024xf32, #tpu.memory_space<vmem>>, vector<16xf32>,
    %swap3A_105 = arith.constant 832 : index
    %swap3A_106 = tpu.vector_load %arg5[%swap3A_105] {strides = array<i32>} : memref<1024xf32, #tpu.memory_space<vmem>>, vector<16xf32>,
    tpu.vector_store %arg5[%swap3A_105], %broadcast_in_dim3A_1 {strides = array<i32>} : memref<1024xf32, #tpu.memory_space<vmem>>, vector<16xf32>,
    %swap3A_107 = arith.constant 848 : index
    %swap3A_108 = tpu.vector_load %arg5[%swap3A_107] {strides = array<i32>} : memref<1024xf32, #tpu.memory_space<vmem>>, vector<16xf32>,
    tpu.vector_store %arg5[%swap3A_107], %broadcast_in_dim3A_1 {strides = array<i32>} : memref<1024xf32, #tpu.memory_space<vmem>>, vector<16xf32>,
    %swap3A_109 = arith.constant 864 : index
    %swap3A_110 = tpu.vector_load %arg5[%swap3A_109] {strides = array<i32>} : memref<1024xf32, #tpu.memory_space<vmem>>, vector<16xf32>,
    tpu.vector_store %arg5[%swap3A_109], %broadcast_in_dim3A_1 {strides = array<i32>} : memref<1024xf32, #tpu.memory_space<vmem>>, vector<16xf32>,
    %swap3A_111 = arith.constant 880 : index
    %swap3A_112 = tpu.vector_load %arg5[%swap3A_111] {strides = array<i32>} : memref<1024xf32, #tpu.memory_space<vmem>>, vector<16xf32>,
    tpu.vector_store %arg5[%swap3A_111], %broadcast_in_dim3A_1 {strides = array<i32>} : memref<1024xf32, #tpu.memory_space<vmem>>, vector<16xf32>,
    %swap3A_113 = arith.constant 896 : index
    %swap3A_114 = tpu.vector_load %arg5[%swap3A_113] {strides = array<i32>} : memref<1024xf32, #tpu.memory_space<vmem>>, vector<16xf32>,
    tpu.vector_store %arg5[%swap3A_113], %broadcast_in_dim3A_1 {strides = array<i32>} : memref<1024xf32, #tpu.memory_space<vmem>>, vector<16xf32>,
    %swap3A_115 = arith.constant 912 : index
    %swap3A_116 = tpu.vector_load %arg5[%swap3A_115] {strides = array<i32>} : memref<1024xf32, #tpu.memory_space<vmem>>, vector<16xf32>,
    tpu.vector_store %arg5[%swap3A_115], %broadcast_in_dim3A_1 {strides = array<i32>} : memref<1024xf32, #tpu.memory_space<vmem>>, vector<16xf32>,
    %swap3A_117 = arith.constant 928 : index
    %swap3A_118 = tpu.vector_load %arg5[%swap3A_117] {strides = array<i32>} : memref<1024xf32, #tpu.memory_space<vmem>>, vector<16xf32>,
    tpu.vector_store %arg5[%swap3A_117], %broadcast_in_dim3A_1 {strides = array<i32>} : memref<1024xf32, #tpu.memory_space<vmem>>, vector<16xf32>,
    %swap3A_119 = arith.constant 944 : index
    %swap3A_120 = tpu.vector_load %arg5[%swap3A_119] {strides = array<i32>} : memref<1024xf32, #tpu.memory_space<vmem>>, vector<16xf32>,
    tpu.vector_store %arg5[%swap3A_119], %broadcast_in_dim3A_1 {strides = array<i32>} : memref<1024xf32, #tpu.memory_space<vmem>>, vector<16xf32>,
    %swap3A_121 = arith.constant 960 : index
    %swap3A_122 = tpu.vector_load %arg5[%swap3A_121] {strides = array<i32>} : memref<1024xf32, #tpu.memory_space<vmem>>, vector<16xf32>,
    tpu.vector_store %arg5[%swap3A_121], %broadcast_in_dim3A_1 {strides = array<i32>} : memref<1024xf32, #tpu.memory_space<vmem>>, vector<16xf32>,
    %swap3A_123 = arith.constant 976 : index
    %swap3A_124 = tpu.vector_load %arg5[%swap3A_123] {strides = array<i32>} : memref<1024xf32, #tpu.memory_space<vmem>>, vector<16xf32>,
    tpu.vector_store %arg5[%swap3A_123], %broadcast_in_dim3A_1 {strides = array<i32>} : memref<1024xf32, #tpu.memory_space<vmem>>, vector<16xf32>,
    %swap3A_125 = arith.constant 992 : index
    %swap3A_126 = tpu.vector_load %arg5[%swap3A_125] {strides = array<i32>} : memref<1024xf32, #tpu.memory_space<vmem>>, vector<16xf32>,
    tpu.vector_store %arg5[%swap3A_125], %broadcast_in_dim3A_1 {strides = array<i32>} : memref<1024xf32, #tpu.memory_space<vmem>>, vector<16xf32>,
    %swap3A_127 = arith.constant 1008 : index
    %swap3A_128 = tpu.vector_load %arg5[%swap3A_127] {strides = array<i32>} : memref<1024xf32, #tpu.memory_space<vmem>>, vector<16xf32>,
    tpu.vector_store %arg5[%swap3A_127], %broadcast_in_dim3A_1 {strides = array<i32>} : memref<1024xf32, #tpu.memory_space<vmem>>, vector<16xf32>,
    %lt3A = arith.constant 25 : i32
    %lt3A_129 = arith.cmpi slt, %add3A, %lt3A : i32
    %convert_element_type3A = arith.extui %lt3A_129 : i1 to i32
    %cond3A = arith.constant 0 : i32
    %cond3A_130 = arith.cmpi ne, %convert_element_type3A, %cond3A : i32
    scf.if %cond3A_130 {
      %mul3A_131 = arith.constant 2000 : i32
      %mul3A_132 = arith.muli %add3A, %mul3A_131 : i32
      "tpu.region"() ({
        %run_scoped3A = tpu.sem_alloc : memref<!tpu.dma_semaphore, #tpu.memory_space<semaphore_mem>>
        %dma_start3A = tpu.memref_slice %arg2[%mul3A_132] : memref<50000xi32, #tpu.memory_space<hbm>> -> memref<2000xi32, #tpu.memory_space<hbm>>
        %dma_start3A_141 = tpu.memref_slice %arg2[%mul3A_132] : memref<50000xi32, #tpu.memory_space<hbm>> -> memref<2000xi32, #tpu.memory_space<hbm>>
        tpu.enqueue_dma source(%dma_start3A_141 : memref<2000xi32, #tpu.memory_space<hbm>>) target(%arg4 : memref<2000xi32, #tpu.memory_space<vmem>>) target_semaphore(%run_scoped3A : memref<!tpu.dma_semaphore, #tpu.memory_space<semaphore_mem>>)
        %dma_wait3A = tpu.memref_slice %arg2[%mul3A_132] : memref<50000xi32, #tpu.memory_space<hbm>> -> memref<2000xi32, #tpu.memory_space<hbm>>
        %dma_wait3A_142 = tpu.memref_slice %arg2[%mul3A_132] : memref<50000xi32, #tpu.memory_space<hbm>> -> memref<2000xi32, #tpu.memory_space<hbm>>
        tpu.wait_dma2 semaphore(%run_scoped3A : memref<!tpu.dma_semaphore, #tpu.memory_space<semaphore_mem>>) src(%dma_wait3A_142 : memref<2000xi32, #tpu.memory_space<hbm>>) dst(%arg4 : memref<2000xi32, #tpu.memory_space<vmem>>)
        tpu.yield
      }) : () -> ()
      %broadcast_in_dim3A_133 = arith.constant 1.000000e+00 : f32
      %broadcast_in_dim3A_134 = vector.broadcast %broadcast_in_dim3A_133 : f32 to vector<16xf32>
      %scan3A = arith.constant 0 : i32
      %scan3A_135 = arith.constant 0 : i32
      %scan3A_136 = arith.constant 125 : i32
      %scan3A_137 = arith.addi %scan3A_135, %scan3A_136 : i32
      %scan3A_138 = arith.constant 1 : i32
      %scan3A_139 = scf.for %scan3A_141 = %scan3A_135 to %scan3A_137 step %scan3A_138 iter_args(%scan3A_142 = %scan3A) -> (i32)  : i32 {
        %mul3A_143 = arith.constant 16 : i32
        %mul3A_144 = arith.muli %scan3A_141, %mul3A_143 : i32
        %get3A = arith.index_cast %mul3A_144 : i32 to index
        %get3A_145 = tpu.vector_load %arg4[%get3A] {strides = array<i32>} : memref<2000xi32, #tpu.memory_space<vmem>>, vector<16xi32>,
        tpu.vector_store_idx %arg5[%get3A_145], %broadcast_in_dim3A_134 {add = true} : memref<1024xf32, #tpu.memory_space<vmem>>[vector<16xi32>], vector<16xf32>,
        %scan3A_146 = arith.constant 0 : i32
        scf.yield %scan3A_146 : i32
      }
      %scan3A_140 = arith.constant 125 : i32
    } else {
    }
    "tpu.region"() ({
      %run_scoped3A = tpu.sem_alloc : memref<!tpu.dma_semaphore, #tpu.memory_space<semaphore_mem>>
      %dma_start3A = arith.constant 0 : i32
      %dma_start3A_131 = tpu.memref_slice %arg3[%add3A, %dma_start3A] : memref<32x1024xf32, #tpu.memory_space<hbm>> -> memref<1x1024xf32, #tpu.memory_space<hbm>>
      %dma_start3A_132 = tpu.memref_squeeze %dma_start3A_131 : memref<1x1024xf32, #tpu.memory_space<hbm>> -> memref<1024xf32, #tpu.memory_space<hbm>>
      %dma_start3A_133 = arith.constant 0 : i32
      %dma_start3A_134 = tpu.memref_slice %arg3[%add3A, %dma_start3A_133] : memref<32x1024xf32, #tpu.memory_space<hbm>> -> memref<1x1024xf32, #tpu.memory_space<hbm>>
      %dma_start3A_135 = tpu.memref_squeeze %dma_start3A_134 : memref<1x1024xf32, #tpu.memory_space<hbm>> -> memref<1024xf32, #tpu.memory_space<hbm>>
      tpu.enqueue_dma source(%arg5 : memref<1024xf32, #tpu.memory_space<vmem>>) target(%dma_start3A_135 : memref<1024xf32, #tpu.memory_space<hbm>>) target_semaphore(%run_scoped3A : memref<!tpu.dma_semaphore, #tpu.memory_space<semaphore_mem>>)
      %dma_wait3A = arith.constant 0 : i32
      %dma_wait3A_136 = tpu.memref_slice %arg3[%add3A, %dma_wait3A] : memref<32x1024xf32, #tpu.memory_space<hbm>> -> memref<1x1024xf32, #tpu.memory_space<hbm>>
      %dma_wait3A_137 = tpu.memref_squeeze %dma_wait3A_136 : memref<1x1024xf32, #tpu.memory_space<hbm>> -> memref<1024xf32, #tpu.memory_space<hbm>>
      %dma_wait3A_138 = arith.constant 0 : i32
      %dma_wait3A_139 = tpu.memref_slice %arg3[%add3A, %dma_wait3A_138] : memref<32x1024xf32, #tpu.memory_space<hbm>> -> memref<1x1024xf32, #tpu.memory_space<hbm>>
      %dma_wait3A_140 = tpu.memref_squeeze %dma_wait3A_139 : memref<1x1024xf32, #tpu.memory_space<hbm>> -> memref<1024xf32, #tpu.memory_space<hbm>>
      tpu.wait_dma2 semaphore(%run_scoped3A : memref<!tpu.dma_semaphore, #tpu.memory_space<semaphore_mem>>) src(%arg5 : memref<1024xf32, #tpu.memory_space<vmem>>) dst(%dma_wait3A_140 : memref<1024xf32, #tpu.memory_space<hbm>>)
      tpu.yield
    }) : () -> ()
    return
  }
}

module attributes {stable_mosaic.version = 14 : i64} {
  func.func @_main_body(%arg0: i32, %arg1: memref<1x1x1000xi32, #tpu.memory_space<vmem>>, %arg2: memref<1000x256xf32, #tpu.memory_space<vmem>>, %arg3: memref<256x256xf32, #tpu.memory_space<vmem>>, %arg4: memref<1x256xf32, #tpu.memory_space<vmem>>, %arg5: memref<256x1024xbf16, #tpu.memory_space<vmem>>, %arg6: memref<1x1024xf32, #tpu.memory_space<vmem>>, %arg7: memref<256x4xf32, #tpu.memory_space<vmem>>, %arg8: memref<1024x256xf32, #tpu.memory_space<vmem>>, %arg9: memref<4x1024x256xf32, #tpu.memory_space<vmem>>, %arg10: memref<1024x8xf32, #tpu.memory_space<vmem>>) attributes {dimension_semantics = [#tpu.dimension_semantics<arbitrary>], iteration_bounds = array<i64: 50>, scalar_prefetch = 0 : i64, scratch_operands = 0 : i64, tpu.core_type = #tpu.core_type<tc>, window_params = [{transform_indices = @transform_0, window_bounds = array<i64: 1, 1, 1000>}, {transform_indices = @transform_1, window_bounds = array<i64: 1000, 256>}, {pipeline_mode = #tpu.pipeline_mode<synchronous>, transform_indices = @transform_2, window_bounds = array<i64: 256, 256>}, {pipeline_mode = #tpu.pipeline_mode<synchronous>, transform_indices = @transform_3, window_bounds = array<i64: 1, 256>}, {pipeline_mode = #tpu.pipeline_mode<synchronous>, transform_indices = @transform_4, window_bounds = array<i64: 256, 1024>}, {pipeline_mode = #tpu.pipeline_mode<synchronous>, transform_indices = @transform_5, window_bounds = array<i64: 1, 1024>}, {pipeline_mode = #tpu.pipeline_mode<synchronous>, transform_indices = @transform_6, window_bounds = array<i64: 256, 4>}, {pipeline_mode = #tpu.pipeline_mode<synchronous>, transform_indices = @transform_7, window_bounds = array<i64: 1024, 256>}, {pipeline_mode = #tpu.pipeline_mode<synchronous>, transform_indices = @transform_8, window_bounds = array<i64: 4, 1024, 256>}, {pipeline_mode = #tpu.pipeline_mode<synchronous>, transform_indices = @transform_9, window_bounds = array<i64: 1024, 8>}]} {
    %eq3A = arith.constant 0 : i32
    %eq3A_0 = arith.cmpi eq, %arg0, %eq3A : i32
    %convert_element_type3A = arith.extui %eq3A_0 : i1 to i32
    %cond3A = arith.constant 0 : i32
    %cond3A_1 = arith.cmpi ne, %convert_element_type3A, %cond3A : i32
    scf.if %cond3A_1 {
      %broadcast_in_dim3A = arith.constant 0.000000e+00 : f32
      %broadcast_in_dim3A_129 = vector.broadcast %broadcast_in_dim3A : f32 to vector<1024x256xf32>
      %swap3A = arith.constant 0 : index
      %swap3A_130 = arith.constant 0 : index
      %swap3A_131 = vector.load %arg8[%swap3A, %swap3A_130] : memref<1024x256xf32, #tpu.memory_space<vmem>>, vector<1024x256xf32>
      tpu.vector_store %arg8[%swap3A, %swap3A_130], %broadcast_in_dim3A_129 {strides = array<i32>} : memref<1024x256xf32, #tpu.memory_space<vmem>>, vector<1024x256xf32>,
      %broadcast_in_dim3A_132 = arith.constant 0.000000e+00 : f32
      %broadcast_in_dim3A_133 = vector.broadcast %broadcast_in_dim3A_132 : f32 to vector<4x1024x256xf32>
      %swap3A_134 = arith.constant 0 : index
      %swap3A_135 = arith.constant 0 : index
      %swap3A_136 = arith.constant 0 : index
      %swap3A_137 = vector.load %arg9[%swap3A_134, %swap3A_135, %swap3A_136] : memref<4x1024x256xf32, #tpu.memory_space<vmem>>, vector<4x1024x256xf32>
      tpu.vector_store %arg9[%swap3A_134, %swap3A_135, %swap3A_136], %broadcast_in_dim3A_133 {strides = array<i32>} : memref<4x1024x256xf32, #tpu.memory_space<vmem>>, vector<4x1024x256xf32>,
      %broadcast_in_dim3A_138 = arith.constant 0.000000e+00 : f32
      %broadcast_in_dim3A_139 = vector.broadcast %broadcast_in_dim3A_138 : f32 to vector<1024x8xf32>
      %swap3A_140 = arith.constant 0 : index
      %swap3A_141 = arith.constant 0 : index
      %swap3A_142 = vector.load %arg10[%swap3A_140, %swap3A_141] : memref<1024x8xf32, #tpu.memory_space<vmem>>, vector<1024x8xf32>
      tpu.vector_store %arg10[%swap3A_140, %swap3A_141], %broadcast_in_dim3A_139 {strides = array<i32>} : memref<1024x8xf32, #tpu.memory_space<vmem>>, vector<1024x8xf32>,
    } else {
    }
    %get3A = arith.constant 0 : index
    %get3A_2 = arith.constant 0 : index
    %get3A_3 = arith.constant 0 : index
    %get3A_4 = vector.load %arg1[%get3A, %get3A_2, %get3A_3] : memref<1x1x1000xi32, #tpu.memory_space<vmem>>, vector<1x1x1000xi32>
    %get3A_5 = vector.shape_cast %get3A_4 : vector<1x1x1000xi32> to vector<1x1000xi32>
    %get3A_6 = arith.constant 0 : index
    %get3A_7 = arith.constant 0 : index
    %get3A_8 = arith.constant 0 : index
    %get3A_9 = vector.load %arg1[%get3A_6, %get3A_7, %get3A_8] : memref<1x1x1000xi32, #tpu.memory_space<vmem>>, vector<1x1x1xi32>
    %get3A_10 = vector.extract %get3A_9[0, 0, 0] : i32 from vector<1x1x1xi32>
    %get3A_11 = arith.constant 0 : index
    %get3A_12 = arith.constant 0 : index
    %get3A_13 = arith.constant 999 : index
    %get3A_14 = vector.load %arg1[%get3A_11, %get3A_12, %get3A_13] : memref<1x1x1000xi32, #tpu.memory_space<vmem>>, vector<1x1x1xi32>
    %get3A_15 = vector.extract %get3A_14[0, 0, 0] : i32 from vector<1x1x1xi32>
    %get3A_16 = arith.constant 0 : index
    %get3A_17 = arith.constant 0 : index
    %get3A_18 = vector.load %arg2[%get3A_16, %get3A_17] : memref<1000x256xf32, #tpu.memory_space<vmem>>, vector<1000x256xf32>
    %get3A_19 = arith.constant 0 : index
    %get3A_20 = arith.constant 0 : index
    %get3A_21 = vector.load %arg3[%get3A_19, %get3A_20] : memref<256x256xf32, #tpu.memory_space<vmem>>, vector<256x256xf32>
    %dot_general3A = arith.constant dense<0.000000e+00> : vector<1000x256xf32>
    %dot_general3A_22 = tpu.matmul %get3A_18, %get3A_21, %dot_general3A {dimension_numbers = #tpu.dot_dimension_numbers<[1], [0], [0], [1], [0, 0, 1, 1], [], []>, transpose_lhs_hint = false} : vector<1000x256xf32>, vector<256x256xf32>, vector<1000x256xf32> -> vector<1000x256xf32>
    %get3A_23 = arith.constant 0 : index
    %get3A_24 = arith.constant 0 : index
    %get3A_25 = vector.load %arg4[%get3A_23, %get3A_24] : memref<1x256xf32, #tpu.memory_space<vmem>>, vector<1x256xf32>
    %add3A = vector.broadcast %get3A_25 : vector<1x256xf32> to vector<1000x256xf32>
    %add3A_26 = arith.addf %dot_general3A_22, %add3A : vector<1000x256xf32>
    %max3A = arith.constant 0.000000e+00 : f32
    %max3A_27 = vector.broadcast %max3A : f32 to vector<1000x256xf32>
    %max3A_28 = arith.maximumf %add3A_26, %max3A_27 : vector<1000x256xf32>
    %convert_element_type3A_29 = arith.truncf %max3A_28 : vector<1000x256xf32> to vector<1000x256xbf16>
    %get3A_30 = arith.constant 0 : index
    %get3A_31 = arith.constant 0 : index
    %get3A_32 = vector.load %arg5[%get3A_30, %get3A_31] : memref<256x1024xbf16, #tpu.memory_space<vmem>>, vector<256x1024xbf16>
    %dot_general3A_33 = arith.constant dense<0.000000e+00> : vector<1000x1024xf32>
    %dot_general3A_34 = tpu.matmul %convert_element_type3A_29, %get3A_32, %dot_general3A_33 {dimension_numbers = #tpu.dot_dimension_numbers<[1], [0], [0], [1], [0, 0, 1, 1], [], []>, transpose_lhs_hint = false} : vector<1000x256xbf16>, vector<256x1024xbf16>, vector<1000x1024xf32> -> vector<1000x1024xf32>
    %get3A_35 = arith.constant 0 : index
    %get3A_36 = arith.constant 0 : index
    %get3A_37 = vector.load %arg6[%get3A_35, %get3A_36] : memref<1x1024xf32, #tpu.memory_space<vmem>>, vector<1x1024xf32>
    %add3A_38 = vector.broadcast %get3A_37 : vector<1x1024xf32> to vector<1000x1024xf32>
    %add3A_39 = arith.addf %dot_general3A_34, %add3A_38 : vector<1000x1024xf32>
    %max3A_40 = arith.constant 0.000000e+00 : f32
    %max3A_41 = vector.broadcast %max3A_40 : f32 to vector<1000x1024xf32>
    %max3A_42 = arith.maximumf %add3A_39, %max3A_41 : vector<1000x1024xf32>
    %convert_element_type3A_43 = arith.truncf %max3A_42 : vector<1000x1024xf32> to vector<1000x1024xbf16>
    %get3A_44 = arith.constant 0 : index
    %get3A_45 = arith.constant 0 : index
    %get3A_46 = vector.load %arg7[%get3A_44, %get3A_45] : memref<256x4xf32, #tpu.memory_space<vmem>>, vector<256x4xf32>
    %dot_general3A_47 = arith.constant dense<0.000000e+00> : vector<1000x4xf32>
    %dot_general3A_48 = tpu.matmul %max3A_28, %get3A_46, %dot_general3A_47 {dimension_numbers = #tpu.dot_dimension_numbers<[1], [0], [0], [1], [0, 0, 1, 1], [], []>, transpose_lhs_hint = false} : vector<1000x256xf32>, vector<256x4xf32>, vector<1000x4xf32> -> vector<1000x4xf32>
    %exp3A = math.exp %dot_general3A_48 : vector<1000x4xf32>
    %transpose3A = tpu.transpose %exp3A, [1, 0] : vector<1000x4xf32> -> vector<4x1000xf32>
    %convert_element_type3A_49 = arith.truncf %transpose3A : vector<4x1000xf32> to vector<4x1000xbf16>
    %jit3A = arith.constant 128 : i32
    %div3A = arith.divsi %get3A_10, %jit3A : i32
    %sign3A = arith.constant 0 : i32
    %sign3A_50 = arith.cmpi sgt, %get3A_10, %sign3A : i32
    %sign3A_51 = arith.extui %sign3A_50 : i1 to i32
    %sign3A_52 = arith.constant 0 : i32
    %sign3A_53 = arith.cmpi slt, %get3A_10, %sign3A_52 : i32
    %sign3A_54 = arith.extui %sign3A_53 : i1 to i32
    %sign3A_55 = arith.subi %sign3A_51, %sign3A_54 : i32
    %sign3A_56 = arith.constant 0 : i32
    %sign3A_57 = arith.cmpi sgt, %jit3A, %sign3A_56 : i32
    %sign3A_58 = arith.extui %sign3A_57 : i1 to i32
    %sign3A_59 = arith.constant 0 : i32
    %sign3A_60 = arith.cmpi slt, %jit3A, %sign3A_59 : i32
    %sign3A_61 = arith.extui %sign3A_60 : i1 to i32
    %sign3A_62 = arith.subi %sign3A_58, %sign3A_61 : i32
    %ne3A = arith.cmpi ne, %sign3A_55, %sign3A_62 : i32
    %rem3A = arith.remsi %get3A_10, %jit3A : i32
    %ne3A_63 = arith.constant 0 : i32
    %ne3A_64 = arith.cmpi ne, %rem3A, %ne3A_63 : i32
    %and3A = arith.andi %ne3A, %ne3A_64 : i1
    %sub3A = arith.constant 1 : i32
    %sub3A_65 = arith.subi %div3A, %sub3A : i32
    %select_n3A = arith.select %and3A, %sub3A_65, %div3A : i32
    %mul3A = arith.constant 128 : i32
    %mul3A_66 = arith.muli %select_n3A, %mul3A : i32
    %jit3A_67 = arith.constant 128 : i32
    %div3A_68 = arith.divsi %get3A_15, %jit3A_67 : i32
    %sign3A_69 = arith.constant 0 : i32
    %sign3A_70 = arith.cmpi sgt, %get3A_15, %sign3A_69 : i32
    %sign3A_71 = arith.extui %sign3A_70 : i1 to i32
    %sign3A_72 = arith.constant 0 : i32
    %sign3A_73 = arith.cmpi slt, %get3A_15, %sign3A_72 : i32
    %sign3A_74 = arith.extui %sign3A_73 : i1 to i32
    %sign3A_75 = arith.subi %sign3A_71, %sign3A_74 : i32
    %sign3A_76 = arith.constant 0 : i32
    %sign3A_77 = arith.cmpi sgt, %jit3A_67, %sign3A_76 : i32
    %sign3A_78 = arith.extui %sign3A_77 : i1 to i32
    %sign3A_79 = arith.constant 0 : i32
    %sign3A_80 = arith.cmpi slt, %jit3A_67, %sign3A_79 : i32
    %sign3A_81 = arith.extui %sign3A_80 : i1 to i32
    %sign3A_82 = arith.subi %sign3A_78, %sign3A_81 : i32
    %ne3A_83 = arith.cmpi ne, %sign3A_75, %sign3A_82 : i32
    %rem3A_84 = arith.remsi %get3A_15, %jit3A_67 : i32
    %ne3A_85 = arith.constant 0 : i32
    %ne3A_86 = arith.cmpi ne, %rem3A_84, %ne3A_85 : i32
    %and3A_87 = arith.andi %ne3A_83, %ne3A_86 : i1
    %sub3A_88 = arith.constant 1 : i32
    %sub3A_89 = arith.subi %div3A_68, %sub3A_88 : i32
    %select_n3A_90 = arith.select %and3A_87, %sub3A_89, %div3A_68 : i32
    %jit3A_91 = arith.constant 128 : i32
    %div3A_92 = arith.divsi %get3A_10, %jit3A_91 : i32
    %sign3A_93 = arith.constant 0 : i32
    %sign3A_94 = arith.cmpi sgt, %get3A_10, %sign3A_93 : i32
    %sign3A_95 = arith.extui %sign3A_94 : i1 to i32
    %sign3A_96 = arith.constant 0 : i32
    %sign3A_97 = arith.cmpi slt, %get3A_10, %sign3A_96 : i32
    %sign3A_98 = arith.extui %sign3A_97 : i1 to i32
    %sign3A_99 = arith.subi %sign3A_95, %sign3A_98 : i32
    %sign3A_100 = arith.constant 0 : i32
    %sign3A_101 = arith.cmpi sgt, %jit3A_91, %sign3A_100 : i32
    %sign3A_102 = arith.extui %sign3A_101 : i1 to i32
    %sign3A_103 = arith.constant 0 : i32
    %sign3A_104 = arith.cmpi slt, %jit3A_91, %sign3A_103 : i32
    %sign3A_105 = arith.extui %sign3A_104 : i1 to i32
    %sign3A_106 = arith.subi %sign3A_102, %sign3A_105 : i32
    %ne3A_107 = arith.cmpi ne, %sign3A_99, %sign3A_106 : i32
    %rem3A_108 = arith.remsi %get3A_10, %jit3A_91 : i32
    %ne3A_109 = arith.constant 0 : i32
    %ne3A_110 = arith.cmpi ne, %rem3A_108, %ne3A_109 : i32
    %and3A_111 = arith.andi %ne3A_107, %ne3A_110 : i1
    %sub3A_112 = arith.constant 1 : i32
    %sub3A_113 = arith.subi %div3A_92, %sub3A_112 : i32
    %select_n3A_114 = arith.select %and3A_111, %sub3A_113, %div3A_92 : i32
    %sub3A_115 = arith.subi %select_n3A_90, %select_n3A_114 : i32
    %add3A_116 = arith.constant 1 : i32
    %add3A_117 = arith.addi %sub3A_115, %add3A_116 : i32
    %while3A = arith.constant 0 : i32
    %while3A_118 = arith.constant 0 : i32
    %while3A_119 = arith.subi %add3A_117, %while3A : i32
    %while3A_120 = arith.addi %while3A, %while3A_119 : i32
    %while3A_121 = arith.constant 1 : i32
    %while3A_122 = arith.divsi %while3A_119, %while3A_121 : i32
    %while3A_123 = arith.muli %while3A_122, %while3A_121 : i32
    %while3A_124 = arith.addi %while3A, %while3A_123 : i32
    %while3A_125 = arith.constant 1 : i32
    %while3A_126 = scf.for %while3A_129 = %while3A to %while3A_124 step %while3A_125 iter_args(%while3A_130 = %while3A_118) -> (i32)  : i32 {
      %mul3A_131 = arith.constant 128 : i32
      %mul3A_132 = arith.muli %while3A_129, %mul3A_131 : i32
      %add3A_133 = arith.addi %mul3A_66, %mul3A_132 : i32
      %iota3A = tpu.iota {dimensions = array<i32: 0>} : vector<128x1000xi32>
      %add3A_134 = vector.broadcast %add3A_133 : i32 to vector<128x1000xi32>
      %add3A_135 = arith.addi %add3A_134, %iota3A : vector<128x1000xi32>
      %eq3A_136 = vector.broadcast %get3A_5 : vector<1x1000xi32> to vector<128x1000xi32>
      %eq3A_137 = arith.cmpi eq, %eq3A_136, %add3A_135 : vector<128x1000xi32>
      %convert_element_type3A_138 = arith.extui %eq3A_137 : vector<128x1000xi1> to vector<128x1000xi32>
      %convert_element_type3A_139 = arith.sitofp %convert_element_type3A_138 : vector<128x1000xi32> to vector<128x1000xf32>
      %convert_element_type3A_140 = arith.truncf %convert_element_type3A_139 : vector<128x1000xf32> to vector<128x1000xbf16>
      %get3A_141 = arith.index_cast %add3A_133 : i32 to index
      %get3A_142 = arith.constant 0 : index
      %get3A_143 = vector.load %arg8[%get3A_141, %get3A_142] : memref<1024x256xf32, #tpu.memory_space<vmem>>, vector<128x256xf32>
      %dot_general3A_144 = arith.constant dense<0.000000e+00> : vector<128x256xf32>
      %dot_general3A_145 = tpu.matmul %convert_element_type3A_140, %convert_element_type3A_29, %dot_general3A_144 {dimension_numbers = #tpu.dot_dimension_numbers<[1], [0], [0], [1], [0, 0, 1, 1], [], []>, transpose_lhs_hint = false} : vector<128x1000xbf16>, vector<1000x256xbf16>, vector<128x256xf32> -> vector<128x256xf32>
      %add3A_146 = arith.addf %get3A_143, %dot_general3A_145 : vector<128x256xf32>
      %swap3A = arith.index_cast %add3A_133 : i32 to index
      %swap3A_147 = arith.constant 0 : index
      %swap3A_148 = vector.load %arg8[%swap3A, %swap3A_147] : memref<1024x256xf32, #tpu.memory_space<vmem>>, vector<128x256xf32>
      tpu.vector_store %arg8[%swap3A, %swap3A_147], %add3A_146 {strides = array<i32>} : memref<1024x256xf32, #tpu.memory_space<vmem>>, vector<128x256xf32>,
      %slice3A = vector.extract_strided_slice %convert_element_type3A_49 {offsets = [0, 0], sizes = [1, 1000], strides = [1, 1]} : vector<4x1000xbf16> to vector<1x1000xbf16>
      %mul3A_149 = vector.broadcast %slice3A : vector<1x1000xbf16> to vector<128x1000xbf16>
      %mul3A_150 = arith.mulf %convert_element_type3A_140, %mul3A_149 : vector<128x1000xbf16>
      %get3A_151 = arith.constant 0 : index
      %get3A_152 = arith.index_cast %add3A_133 : i32 to index
      %get3A_153 = arith.constant 0 : index
      %get3A_154 = vector.load %arg9[%get3A_151, %get3A_152, %get3A_153] : memref<4x1024x256xf32, #tpu.memory_space<vmem>>, vector<1x128x256xf32>
      %get3A_155 = vector.shape_cast %get3A_154 : vector<1x128x256xf32> to vector<128x256xf32>
      %slice3A_156 = vector.extract_strided_slice %convert_element_type3A_43 {offsets = [0, 0], sizes = [1000, 256], strides = [1, 1]} : vector<1000x1024xbf16> to vector<1000x256xbf16>
      %dot_general3A_157 = arith.constant dense<0.000000e+00> : vector<128x256xf32>
      %dot_general3A_158 = tpu.matmul %mul3A_150, %slice3A_156, %dot_general3A_157 {dimension_numbers = #tpu.dot_dimension_numbers<[1], [0], [0], [1], [0, 0, 1, 1], [], []>, transpose_lhs_hint = false} : vector<128x1000xbf16>, vector<1000x256xbf16>, vector<128x256xf32> -> vector<128x256xf32>
      %add3A_159 = arith.addf %get3A_155, %dot_general3A_158 : vector<128x256xf32>
      %swap3A_160 = arith.constant 0 : index
      %swap3A_161 = arith.index_cast %add3A_133 : i32 to index
      %swap3A_162 = arith.constant 0 : index
      %swap3A_163 = vector.load %arg9[%swap3A_160, %swap3A_161, %swap3A_162] : memref<4x1024x256xf32, #tpu.memory_space<vmem>>, vector<1x128x256xf32>
      %swap3A_164 = vector.shape_cast %swap3A_163 : vector<1x128x256xf32> to vector<128x256xf32>
      %swap3A_165 = vector.shape_cast %add3A_159 : vector<128x256xf32> to vector<1x128x256xf32>
      tpu.vector_store %arg9[%swap3A_160, %swap3A_161, %swap3A_162], %swap3A_165 {strides = array<i32>} : memref<4x1024x256xf32, #tpu.memory_space<vmem>>, vector<1x128x256xf32>,
      %get3A_166 = arith.index_cast %add3A_133 : i32 to index
      %get3A_167 = arith.constant 1 : index
      %get3A_168 = vector.load %arg10[%get3A_166, %get3A_167] : memref<1024x8xf32, #tpu.memory_space<vmem>>, vector<128x1xf32>
      %convert_element_type3A_169 = arith.extf %mul3A_150 : vector<128x1000xbf16> to vector<128x1000xf32>
      %reduce_sum3A = arith.constant dense<0.000000e+00> : vector<128xf32>
      %reduce_sum3A_170 = vector.multi_reduction <add>, %convert_element_type3A_169, %reduce_sum3A [1] : vector<128x1000xf32> to vector<128xf32>
      %broadcast_in_dim3A = vector.shape_cast %reduce_sum3A_170 : vector<128xf32> to vector<128x1xf32>
      %add3A_171 = arith.addf %get3A_168, %broadcast_in_dim3A : vector<128x1xf32>
      %swap3A_172 = arith.index_cast %add3A_133 : i32 to index
      %swap3A_173 = arith.constant 1 : index
      %swap3A_174 = vector.load %arg10[%swap3A_172, %swap3A_173] : memref<1024x8xf32, #tpu.memory_space<vmem>>, vector<128x1xf32>
      tpu.vector_store %arg10[%swap3A_172, %swap3A_173], %add3A_171 {strides = array<i32>} : memref<1024x8xf32, #tpu.memory_space<vmem>>, vector<128x1xf32>,
      %slice3A_175 = vector.extract_strided_slice %convert_element_type3A_49 {offsets = [1, 0], sizes = [1, 1000], strides = [1, 1]} : vector<4x1000xbf16> to vector<1x1000xbf16>
      %mul3A_176 = vector.broadcast %slice3A_175 : vector<1x1000xbf16> to vector<128x1000xbf16>
      %mul3A_177 = arith.mulf %convert_element_type3A_140, %mul3A_176 : vector<128x1000xbf16>
      %get3A_178 = arith.constant 1 : index
      %get3A_179 = arith.index_cast %add3A_133 : i32 to index
      %get3A_180 = arith.constant 0 : index
      %get3A_181 = vector.load %arg9[%get3A_178, %get3A_179, %get3A_180] : memref<4x1024x256xf32, #tpu.memory_space<vmem>>, vector<1x128x256xf32>
      %get3A_182 = vector.shape_cast %get3A_181 : vector<1x128x256xf32> to vector<128x256xf32>
      %slice3A_183 = vector.extract_strided_slice %convert_element_type3A_43 {offsets = [0, 256], sizes = [1000, 256], strides = [1, 1]} : vector<1000x1024xbf16> to vector<1000x256xbf16>
      %dot_general3A_184 = arith.constant dense<0.000000e+00> : vector<128x256xf32>
      %dot_general3A_185 = tpu.matmul %mul3A_177, %slice3A_183, %dot_general3A_184 {dimension_numbers = #tpu.dot_dimension_numbers<[1], [0], [0], [1], [0, 0, 1, 1], [], []>, transpose_lhs_hint = false} : vector<128x1000xbf16>, vector<1000x256xbf16>, vector<128x256xf32> -> vector<128x256xf32>
      %add3A_186 = arith.addf %get3A_182, %dot_general3A_185 : vector<128x256xf32>
      %swap3A_187 = arith.constant 1 : index
      %swap3A_188 = arith.index_cast %add3A_133 : i32 to index
      %swap3A_189 = arith.constant 0 : index
      %swap3A_190 = vector.load %arg9[%swap3A_187, %swap3A_188, %swap3A_189] : memref<4x1024x256xf32, #tpu.memory_space<vmem>>, vector<1x128x256xf32>
      %swap3A_191 = vector.shape_cast %swap3A_190 : vector<1x128x256xf32> to vector<128x256xf32>
      %swap3A_192 = vector.shape_cast %add3A_186 : vector<128x256xf32> to vector<1x128x256xf32>
      tpu.vector_store %arg9[%swap3A_187, %swap3A_188, %swap3A_189], %swap3A_192 {strides = array<i32>} : memref<4x1024x256xf32, #tpu.memory_space<vmem>>, vector<1x128x256xf32>,
      %get3A_193 = arith.index_cast %add3A_133 : i32 to index
      %get3A_194 = arith.constant 2 : index
      %get3A_195 = vector.load %arg10[%get3A_193, %get3A_194] : memref<1024x8xf32, #tpu.memory_space<vmem>>, vector<128x1xf32>
      %convert_element_type3A_196 = arith.extf %mul3A_177 : vector<128x1000xbf16> to vector<128x1000xf32>
      %reduce_sum3A_197 = arith.constant dense<0.000000e+00> : vector<128xf32>
      %reduce_sum3A_198 = vector.multi_reduction <add>, %convert_element_type3A_196, %reduce_sum3A_197 [1] : vector<128x1000xf32> to vector<128xf32>
      %broadcast_in_dim3A_199 = vector.shape_cast %reduce_sum3A_198 : vector<128xf32> to vector<128x1xf32>
      %add3A_200 = arith.addf %get3A_195, %broadcast_in_dim3A_199 : vector<128x1xf32>
      %swap3A_201 = arith.index_cast %add3A_133 : i32 to index
      %swap3A_202 = arith.constant 2 : index
      %swap3A_203 = vector.load %arg10[%swap3A_201, %swap3A_202] : memref<1024x8xf32, #tpu.memory_space<vmem>>, vector<128x1xf32>
      tpu.vector_store %arg10[%swap3A_201, %swap3A_202], %add3A_200 {strides = array<i32>} : memref<1024x8xf32, #tpu.memory_space<vmem>>, vector<128x1xf32>,
      %slice3A_204 = vector.extract_strided_slice %convert_element_type3A_49 {offsets = [2, 0], sizes = [1, 1000], strides = [1, 1]} : vector<4x1000xbf16> to vector<1x1000xbf16>
      %mul3A_205 = vector.broadcast %slice3A_204 : vector<1x1000xbf16> to vector<128x1000xbf16>
      %mul3A_206 = arith.mulf %convert_element_type3A_140, %mul3A_205 : vector<128x1000xbf16>
      %get3A_207 = arith.constant 2 : index
      %get3A_208 = arith.index_cast %add3A_133 : i32 to index
      %get3A_209 = arith.constant 0 : index
      %get3A_210 = vector.load %arg9[%get3A_207, %get3A_208, %get3A_209] : memref<4x1024x256xf32, #tpu.memory_space<vmem>>, vector<1x128x256xf32>
      %get3A_211 = vector.shape_cast %get3A_210 : vector<1x128x256xf32> to vector<128x256xf32>
      %slice3A_212 = vector.extract_strided_slice %convert_element_type3A_43 {offsets = [0, 512], sizes = [1000, 256], strides = [1, 1]} : vector<1000x1024xbf16> to vector<1000x256xbf16>
      %dot_general3A_213 = arith.constant dense<0.000000e+00> : vector<128x256xf32>
      %dot_general3A_214 = tpu.matmul %mul3A_206, %slice3A_212, %dot_general3A_213 {dimension_numbers = #tpu.dot_dimension_numbers<[1], [0], [0], [1], [0, 0, 1, 1], [], []>, transpose_lhs_hint = false} : vector<128x1000xbf16>, vector<1000x256xbf16>, vector<128x256xf32> -> vector<128x256xf32>
      %add3A_215 = arith.addf %get3A_211, %dot_general3A_214 : vector<128x256xf32>
      %swap3A_216 = arith.constant 2 : index
      %swap3A_217 = arith.index_cast %add3A_133 : i32 to index
      %swap3A_218 = arith.constant 0 : index
      %swap3A_219 = vector.load %arg9[%swap3A_216, %swap3A_217, %swap3A_218] : memref<4x1024x256xf32, #tpu.memory_space<vmem>>, vector<1x128x256xf32>
      %swap3A_220 = vector.shape_cast %swap3A_219 : vector<1x128x256xf32> to vector<128x256xf32>
      %swap3A_221 = vector.shape_cast %add3A_215 : vector<128x256xf32> to vector<1x128x256xf32>
      tpu.vector_store %arg9[%swap3A_216, %swap3A_217, %swap3A_218], %swap3A_221 {strides = array<i32>} : memref<4x1024x256xf32, #tpu.memory_space<vmem>>, vector<1x128x256xf32>,
      %get3A_222 = arith.index_cast %add3A_133 : i32 to index
      %get3A_223 = arith.constant 3 : index
      %get3A_224 = vector.load %arg10[%get3A_222, %get3A_223] : memref<1024x8xf32, #tpu.memory_space<vmem>>, vector<128x1xf32>
      %convert_element_type3A_225 = arith.extf %mul3A_206 : vector<128x1000xbf16> to vector<128x1000xf32>
      %reduce_sum3A_226 = arith.constant dense<0.000000e+00> : vector<128xf32>
      %reduce_sum3A_227 = vector.multi_reduction <add>, %convert_element_type3A_225, %reduce_sum3A_226 [1] : vector<128x1000xf32> to vector<128xf32>
      %broadcast_in_dim3A_228 = vector.shape_cast %reduce_sum3A_227 : vector<128xf32> to vector<128x1xf32>
      %add3A_229 = arith.addf %get3A_224, %broadcast_in_dim3A_228 : vector<128x1xf32>
      %swap3A_230 = arith.index_cast %add3A_133 : i32 to index
      %swap3A_231 = arith.constant 3 : index
      %swap3A_232 = vector.load %arg10[%swap3A_230, %swap3A_231] : memref<1024x8xf32, #tpu.memory_space<vmem>>, vector<128x1xf32>
      tpu.vector_store %arg10[%swap3A_230, %swap3A_231], %add3A_229 {strides = array<i32>} : memref<1024x8xf32, #tpu.memory_space<vmem>>, vector<128x1xf32>,
      %slice3A_233 = vector.extract_strided_slice %convert_element_type3A_49 {offsets = [3, 0], sizes = [1, 1000], strides = [1, 1]} : vector<4x1000xbf16> to vector<1x1000xbf16>
      %mul3A_234 = vector.broadcast %slice3A_233 : vector<1x1000xbf16> to vector<128x1000xbf16>
      %mul3A_235 = arith.mulf %convert_element_type3A_140, %mul3A_234 : vector<128x1000xbf16>
      %get3A_236 = arith.constant 3 : index
      %get3A_237 = arith.index_cast %add3A_133 : i32 to index
      %get3A_238 = arith.constant 0 : index
      %get3A_239 = vector.load %arg9[%get3A_236, %get3A_237, %get3A_238] : memref<4x1024x256xf32, #tpu.memory_space<vmem>>, vector<1x128x256xf32>
      %get3A_240 = vector.shape_cast %get3A_239 : vector<1x128x256xf32> to vector<128x256xf32>
      %slice3A_241 = vector.extract_strided_slice %convert_element_type3A_43 {offsets = [0, 768], sizes = [1000, 256], strides = [1, 1]} : vector<1000x1024xbf16> to vector<1000x256xbf16>
      %dot_general3A_242 = arith.constant dense<0.000000e+00> : vector<128x256xf32>
      %dot_general3A_243 = tpu.matmul %mul3A_235, %slice3A_241, %dot_general3A_242 {dimension_numbers = #tpu.dot_dimension_numbers<[1], [0], [0], [1], [0, 0, 1, 1], [], []>, transpose_lhs_hint = false} : vector<128x1000xbf16>, vector<1000x256xbf16>, vector<128x256xf32> -> vector<128x256xf32>
      %add3A_244 = arith.addf %get3A_240, %dot_general3A_243 : vector<128x256xf32>
      %swap3A_245 = arith.constant 3 : index
      %swap3A_246 = arith.index_cast %add3A_133 : i32 to index
      %swap3A_247 = arith.constant 0 : index
      %swap3A_248 = vector.load %arg9[%swap3A_245, %swap3A_246, %swap3A_247] : memref<4x1024x256xf32, #tpu.memory_space<vmem>>, vector<1x128x256xf32>
      %swap3A_249 = vector.shape_cast %swap3A_248 : vector<1x128x256xf32> to vector<128x256xf32>
      %swap3A_250 = vector.shape_cast %add3A_244 : vector<128x256xf32> to vector<1x128x256xf32>
      tpu.vector_store %arg9[%swap3A_245, %swap3A_246, %swap3A_247], %swap3A_250 {strides = array<i32>} : memref<4x1024x256xf32, #tpu.memory_space<vmem>>, vector<1x128x256xf32>,
      %get3A_251 = arith.index_cast %add3A_133 : i32 to index
      %get3A_252 = arith.constant 4 : index
      %get3A_253 = vector.load %arg10[%get3A_251, %get3A_252] : memref<1024x8xf32, #tpu.memory_space<vmem>>, vector<128x1xf32>
      %convert_element_type3A_254 = arith.extf %mul3A_235 : vector<128x1000xbf16> to vector<128x1000xf32>
      %reduce_sum3A_255 = arith.constant dense<0.000000e+00> : vector<128xf32>
      %reduce_sum3A_256 = vector.multi_reduction <add>, %convert_element_type3A_254, %reduce_sum3A_255 [1] : vector<128x1000xf32> to vector<128xf32>
      %broadcast_in_dim3A_257 = vector.shape_cast %reduce_sum3A_256 : vector<128xf32> to vector<128x1xf32>
      %add3A_258 = arith.addf %get3A_253, %broadcast_in_dim3A_257 : vector<128x1xf32>
      %swap3A_259 = arith.index_cast %add3A_133 : i32 to index
      %swap3A_260 = arith.constant 4 : index
      %swap3A_261 = vector.load %arg10[%swap3A_259, %swap3A_260] : memref<1024x8xf32, #tpu.memory_space<vmem>>, vector<128x1xf32>
      tpu.vector_store %arg10[%swap3A_259, %swap3A_260], %add3A_258 {strides = array<i32>} : memref<1024x8xf32, #tpu.memory_space<vmem>>, vector<128x1xf32>,
      %while3A_262 = arith.constant 0 : i32
      scf.yield %while3A_262 : i32
    }
    %while3A_127 = arith.constant 1 : i32
    %while3A_128 = scf.for %while3A_129 = %while3A_124 to %while3A_120 step %while3A_127 iter_args(%while3A_130 = %while3A_126) -> (i32)  : i32 {
      %mul3A_131 = arith.constant 128 : i32
      %mul3A_132 = arith.muli %while3A_129, %mul3A_131 : i32
      %add3A_133 = arith.addi %mul3A_66, %mul3A_132 : i32
      %iota3A = tpu.iota {dimensions = array<i32: 0>} : vector<128x1000xi32>
      %add3A_134 = vector.broadcast %add3A_133 : i32 to vector<128x1000xi32>
      %add3A_135 = arith.addi %add3A_134, %iota3A : vector<128x1000xi32>
      %eq3A_136 = vector.broadcast %get3A_5 : vector<1x1000xi32> to vector<128x1000xi32>
      %eq3A_137 = arith.cmpi eq, %eq3A_136, %add3A_135 : vector<128x1000xi32>
      %convert_element_type3A_138 = arith.extui %eq3A_137 : vector<128x1000xi1> to vector<128x1000xi32>
      %convert_element_type3A_139 = arith.sitofp %convert_element_type3A_138 : vector<128x1000xi32> to vector<128x1000xf32>
      %convert_element_type3A_140 = arith.truncf %convert_element_type3A_139 : vector<128x1000xf32> to vector<128x1000xbf16>
      %get3A_141 = arith.index_cast %add3A_133 : i32 to index
      %get3A_142 = arith.constant 0 : index
      %get3A_143 = vector.load %arg8[%get3A_141, %get3A_142] : memref<1024x256xf32, #tpu.memory_space<vmem>>, vector<128x256xf32>
      %dot_general3A_144 = arith.constant dense<0.000000e+00> : vector<128x256xf32>
      %dot_general3A_145 = tpu.matmul %convert_element_type3A_140, %convert_element_type3A_29, %dot_general3A_144 {dimension_numbers = #tpu.dot_dimension_numbers<[1], [0], [0], [1], [0, 0, 1, 1], [], []>, transpose_lhs_hint = false} : vector<128x1000xbf16>, vector<1000x256xbf16>, vector<128x256xf32> -> vector<128x256xf32>
      %add3A_146 = arith.addf %get3A_143, %dot_general3A_145 : vector<128x256xf32>
      %swap3A = arith.index_cast %add3A_133 : i32 to index
      %swap3A_147 = arith.constant 0 : index
      %swap3A_148 = vector.load %arg8[%swap3A, %swap3A_147] : memref<1024x256xf32, #tpu.memory_space<vmem>>, vector<128x256xf32>
      tpu.vector_store %arg8[%swap3A, %swap3A_147], %add3A_146 {strides = array<i32>} : memref<1024x256xf32, #tpu.memory_space<vmem>>, vector<128x256xf32>,
      %slice3A = vector.extract_strided_slice %convert_element_type3A_49 {offsets = [0, 0], sizes = [1, 1000], strides = [1, 1]} : vector<4x1000xbf16> to vector<1x1000xbf16>
      %mul3A_149 = vector.broadcast %slice3A : vector<1x1000xbf16> to vector<128x1000xbf16>
      %mul3A_150 = arith.mulf %convert_element_type3A_140, %mul3A_149 : vector<128x1000xbf16>
      %get3A_151 = arith.constant 0 : index
      %get3A_152 = arith.index_cast %add3A_133 : i32 to index
      %get3A_153 = arith.constant 0 : index
      %get3A_154 = vector.load %arg9[%get3A_151, %get3A_152, %get3A_153] : memref<4x1024x256xf32, #tpu.memory_space<vmem>>, vector<1x128x256xf32>
      %get3A_155 = vector.shape_cast %get3A_154 : vector<1x128x256xf32> to vector<128x256xf32>
      %slice3A_156 = vector.extract_strided_slice %convert_element_type3A_43 {offsets = [0, 0], sizes = [1000, 256], strides = [1, 1]} : vector<1000x1024xbf16> to vector<1000x256xbf16>
      %dot_general3A_157 = arith.constant dense<0.000000e+00> : vector<128x256xf32>
      %dot_general3A_158 = tpu.matmul %mul3A_150, %slice3A_156, %dot_general3A_157 {dimension_numbers = #tpu.dot_dimension_numbers<[1], [0], [0], [1], [0, 0, 1, 1], [], []>, transpose_lhs_hint = false} : vector<128x1000xbf16>, vector<1000x256xbf16>, vector<128x256xf32> -> vector<128x256xf32>
      %add3A_159 = arith.addf %get3A_155, %dot_general3A_158 : vector<128x256xf32>
      %swap3A_160 = arith.constant 0 : index
      %swap3A_161 = arith.index_cast %add3A_133 : i32 to index
      %swap3A_162 = arith.constant 0 : index
      %swap3A_163 = vector.load %arg9[%swap3A_160, %swap3A_161, %swap3A_162] : memref<4x1024x256xf32, #tpu.memory_space<vmem>>, vector<1x128x256xf32>
      %swap3A_164 = vector.shape_cast %swap3A_163 : vector<1x128x256xf32> to vector<128x256xf32>
      %swap3A_165 = vector.shape_cast %add3A_159 : vector<128x256xf32> to vector<1x128x256xf32>
      tpu.vector_store %arg9[%swap3A_160, %swap3A_161, %swap3A_162], %swap3A_165 {strides = array<i32>} : memref<4x1024x256xf32, #tpu.memory_space<vmem>>, vector<1x128x256xf32>,
      %get3A_166 = arith.index_cast %add3A_133 : i32 to index
      %get3A_167 = arith.constant 1 : index
      %get3A_168 = vector.load %arg10[%get3A_166, %get3A_167] : memref<1024x8xf32, #tpu.memory_space<vmem>>, vector<128x1xf32>
      %convert_element_type3A_169 = arith.extf %mul3A_150 : vector<128x1000xbf16> to vector<128x1000xf32>
      %reduce_sum3A = arith.constant dense<0.000000e+00> : vector<128xf32>
      %reduce_sum3A_170 = vector.multi_reduction <add>, %convert_element_type3A_169, %reduce_sum3A [1] : vector<128x1000xf32> to vector<128xf32>
      %broadcast_in_dim3A = vector.shape_cast %reduce_sum3A_170 : vector<128xf32> to vector<128x1xf32>
      %add3A_171 = arith.addf %get3A_168, %broadcast_in_dim3A : vector<128x1xf32>
      %swap3A_172 = arith.index_cast %add3A_133 : i32 to index
      %swap3A_173 = arith.constant 1 : index
      %swap3A_174 = vector.load %arg10[%swap3A_172, %swap3A_173] : memref<1024x8xf32, #tpu.memory_space<vmem>>, vector<128x1xf32>
      tpu.vector_store %arg10[%swap3A_172, %swap3A_173], %add3A_171 {strides = array<i32>} : memref<1024x8xf32, #tpu.memory_space<vmem>>, vector<128x1xf32>,
      %slice3A_175 = vector.extract_strided_slice %convert_element_type3A_49 {offsets = [1, 0], sizes = [1, 1000], strides = [1, 1]} : vector<4x1000xbf16> to vector<1x1000xbf16>
      %mul3A_176 = vector.broadcast %slice3A_175 : vector<1x1000xbf16> to vector<128x1000xbf16>
      %mul3A_177 = arith.mulf %convert_element_type3A_140, %mul3A_176 : vector<128x1000xbf16>
      %get3A_178 = arith.constant 1 : index
      %get3A_179 = arith.index_cast %add3A_133 : i32 to index
      %get3A_180 = arith.constant 0 : index
      %get3A_181 = vector.load %arg9[%get3A_178, %get3A_179, %get3A_180] : memref<4x1024x256xf32, #tpu.memory_space<vmem>>, vector<1x128x256xf32>
      %get3A_182 = vector.shape_cast %get3A_181 : vector<1x128x256xf32> to vector<128x256xf32>
      %slice3A_183 = vector.extract_strided_slice %convert_element_type3A_43 {offsets = [0, 256], sizes = [1000, 256], strides = [1, 1]} : vector<1000x1024xbf16> to vector<1000x256xbf16>
      %dot_general3A_184 = arith.constant dense<0.000000e+00> : vector<128x256xf32>
      %dot_general3A_185 = tpu.matmul %mul3A_177, %slice3A_183, %dot_general3A_184 {dimension_numbers = #tpu.dot_dimension_numbers<[1], [0], [0], [1], [0, 0, 1, 1], [], []>, transpose_lhs_hint = false} : vector<128x1000xbf16>, vector<1000x256xbf16>, vector<128x256xf32> -> vector<128x256xf32>
      %add3A_186 = arith.addf %get3A_182, %dot_general3A_185 : vector<128x256xf32>
      %swap3A_187 = arith.constant 1 : index
      %swap3A_188 = arith.index_cast %add3A_133 : i32 to index
      %swap3A_189 = arith.constant 0 : index
      %swap3A_190 = vector.load %arg9[%swap3A_187, %swap3A_188, %swap3A_189] : memref<4x1024x256xf32, #tpu.memory_space<vmem>>, vector<1x128x256xf32>
      %swap3A_191 = vector.shape_cast %swap3A_190 : vector<1x128x256xf32> to vector<128x256xf32>
      %swap3A_192 = vector.shape_cast %add3A_186 : vector<128x256xf32> to vector<1x128x256xf32>
      tpu.vector_store %arg9[%swap3A_187, %swap3A_188, %swap3A_189], %swap3A_192 {strides = array<i32>} : memref<4x1024x256xf32, #tpu.memory_space<vmem>>, vector<1x128x256xf32>,
      %get3A_193 = arith.index_cast %add3A_133 : i32 to index
      %get3A_194 = arith.constant 2 : index
      %get3A_195 = vector.load %arg10[%get3A_193, %get3A_194] : memref<1024x8xf32, #tpu.memory_space<vmem>>, vector<128x1xf32>
      %convert_element_type3A_196 = arith.extf %mul3A_177 : vector<128x1000xbf16> to vector<128x1000xf32>
      %reduce_sum3A_197 = arith.constant dense<0.000000e+00> : vector<128xf32>
      %reduce_sum3A_198 = vector.multi_reduction <add>, %convert_element_type3A_196, %reduce_sum3A_197 [1] : vector<128x1000xf32> to vector<128xf32>
      %broadcast_in_dim3A_199 = vector.shape_cast %reduce_sum3A_198 : vector<128xf32> to vector<128x1xf32>
      %add3A_200 = arith.addf %get3A_195, %broadcast_in_dim3A_199 : vector<128x1xf32>
      %swap3A_201 = arith.index_cast %add3A_133 : i32 to index
      %swap3A_202 = arith.constant 2 : index
      %swap3A_203 = vector.load %arg10[%swap3A_201, %swap3A_202] : memref<1024x8xf32, #tpu.memory_space<vmem>>, vector<128x1xf32>
      tpu.vector_store %arg10[%swap3A_201, %swap3A_202], %add3A_200 {strides = array<i32>} : memref<1024x8xf32, #tpu.memory_space<vmem>>, vector<128x1xf32>,
      %slice3A_204 = vector.extract_strided_slice %convert_element_type3A_49 {offsets = [2, 0], sizes = [1, 1000], strides = [1, 1]} : vector<4x1000xbf16> to vector<1x1000xbf16>
      %mul3A_205 = vector.broadcast %slice3A_204 : vector<1x1000xbf16> to vector<128x1000xbf16>
      %mul3A_206 = arith.mulf %convert_element_type3A_140, %mul3A_205 : vector<128x1000xbf16>
      %get3A_207 = arith.constant 2 : index
      %get3A_208 = arith.index_cast %add3A_133 : i32 to index
      %get3A_209 = arith.constant 0 : index
      %get3A_210 = vector.load %arg9[%get3A_207, %get3A_208, %get3A_209] : memref<4x1024x256xf32, #tpu.memory_space<vmem>>, vector<1x128x256xf32>
      %get3A_211 = vector.shape_cast %get3A_210 : vector<1x128x256xf32> to vector<128x256xf32>
      %slice3A_212 = vector.extract_strided_slice %convert_element_type3A_43 {offsets = [0, 512], sizes = [1000, 256], strides = [1, 1]} : vector<1000x1024xbf16> to vector<1000x256xbf16>
      %dot_general3A_213 = arith.constant dense<0.000000e+00> : vector<128x256xf32>
      %dot_general3A_214 = tpu.matmul %mul3A_206, %slice3A_212, %dot_general3A_213 {dimension_numbers = #tpu.dot_dimension_numbers<[1], [0], [0], [1], [0, 0, 1, 1], [], []>, transpose_lhs_hint = false} : vector<128x1000xbf16>, vector<1000x256xbf16>, vector<128x256xf32> -> vector<128x256xf32>
      %add3A_215 = arith.addf %get3A_211, %dot_general3A_214 : vector<128x256xf32>
      %swap3A_216 = arith.constant 2 : index
      %swap3A_217 = arith.index_cast %add3A_133 : i32 to index
      %swap3A_218 = arith.constant 0 : index
      %swap3A_219 = vector.load %arg9[%swap3A_216, %swap3A_217, %swap3A_218] : memref<4x1024x256xf32, #tpu.memory_space<vmem>>, vector<1x128x256xf32>
      %swap3A_220 = vector.shape_cast %swap3A_219 : vector<1x128x256xf32> to vector<128x256xf32>
      %swap3A_221 = vector.shape_cast %add3A_215 : vector<128x256xf32> to vector<1x128x256xf32>
      tpu.vector_store %arg9[%swap3A_216, %swap3A_217, %swap3A_218], %swap3A_221 {strides = array<i32>} : memref<4x1024x256xf32, #tpu.memory_space<vmem>>, vector<1x128x256xf32>,
      %get3A_222 = arith.index_cast %add3A_133 : i32 to index
      %get3A_223 = arith.constant 3 : index
      %get3A_224 = vector.load %arg10[%get3A_222, %get3A_223] : memref<1024x8xf32, #tpu.memory_space<vmem>>, vector<128x1xf32>
      %convert_element_type3A_225 = arith.extf %mul3A_206 : vector<128x1000xbf16> to vector<128x1000xf32>
      %reduce_sum3A_226 = arith.constant dense<0.000000e+00> : vector<128xf32>
      %reduce_sum3A_227 = vector.multi_reduction <add>, %convert_element_type3A_225, %reduce_sum3A_226 [1] : vector<128x1000xf32> to vector<128xf32>
      %broadcast_in_dim3A_228 = vector.shape_cast %reduce_sum3A_227 : vector<128xf32> to vector<128x1xf32>
      %add3A_229 = arith.addf %get3A_224, %broadcast_in_dim3A_228 : vector<128x1xf32>
      %swap3A_230 = arith.index_cast %add3A_133 : i32 to index
      %swap3A_231 = arith.constant 3 : index
      %swap3A_232 = vector.load %arg10[%swap3A_230, %swap3A_231] : memref<1024x8xf32, #tpu.memory_space<vmem>>, vector<128x1xf32>
      tpu.vector_store %arg10[%swap3A_230, %swap3A_231], %add3A_229 {strides = array<i32>} : memref<1024x8xf32, #tpu.memory_space<vmem>>, vector<128x1xf32>,
      %slice3A_233 = vector.extract_strided_slice %convert_element_type3A_49 {offsets = [3, 0], sizes = [1, 1000], strides = [1, 1]} : vector<4x1000xbf16> to vector<1x1000xbf16>
      %mul3A_234 = vector.broadcast %slice3A_233 : vector<1x1000xbf16> to vector<128x1000xbf16>
      %mul3A_235 = arith.mulf %convert_element_type3A_140, %mul3A_234 : vector<128x1000xbf16>
      %get3A_236 = arith.constant 3 : index
      %get3A_237 = arith.index_cast %add3A_133 : i32 to index
      %get3A_238 = arith.constant 0 : index
      %get3A_239 = vector.load %arg9[%get3A_236, %get3A_237, %get3A_238] : memref<4x1024x256xf32, #tpu.memory_space<vmem>>, vector<1x128x256xf32>
      %get3A_240 = vector.shape_cast %get3A_239 : vector<1x128x256xf32> to vector<128x256xf32>
      %slice3A_241 = vector.extract_strided_slice %convert_element_type3A_43 {offsets = [0, 768], sizes = [1000, 256], strides = [1, 1]} : vector<1000x1024xbf16> to vector<1000x256xbf16>
      %dot_general3A_242 = arith.constant dense<0.000000e+00> : vector<128x256xf32>
      %dot_general3A_243 = tpu.matmul %mul3A_235, %slice3A_241, %dot_general3A_242 {dimension_numbers = #tpu.dot_dimension_numbers<[1], [0], [0], [1], [0, 0, 1, 1], [], []>, transpose_lhs_hint = false} : vector<128x1000xbf16>, vector<1000x256xbf16>, vector<128x256xf32> -> vector<128x256xf32>
      %add3A_244 = arith.addf %get3A_240, %dot_general3A_243 : vector<128x256xf32>
      %swap3A_245 = arith.constant 3 : index
      %swap3A_246 = arith.index_cast %add3A_133 : i32 to index
      %swap3A_247 = arith.constant 0 : index
      %swap3A_248 = vector.load %arg9[%swap3A_245, %swap3A_246, %swap3A_247] : memref<4x1024x256xf32, #tpu.memory_space<vmem>>, vector<1x128x256xf32>
      %swap3A_249 = vector.shape_cast %swap3A_248 : vector<1x128x256xf32> to vector<128x256xf32>
      %swap3A_250 = vector.shape_cast %add3A_244 : vector<128x256xf32> to vector<1x128x256xf32>
      tpu.vector_store %arg9[%swap3A_245, %swap3A_246, %swap3A_247], %swap3A_250 {strides = array<i32>} : memref<4x1024x256xf32, #tpu.memory_space<vmem>>, vector<1x128x256xf32>,
      %get3A_251 = arith.index_cast %add3A_133 : i32 to index
      %get3A_252 = arith.constant 4 : index
      %get3A_253 = vector.load %arg10[%get3A_251, %get3A_252] : memref<1024x8xf32, #tpu.memory_space<vmem>>, vector<128x1xf32>
      %convert_element_type3A_254 = arith.extf %mul3A_235 : vector<128x1000xbf16> to vector<128x1000xf32>
      %reduce_sum3A_255 = arith.constant dense<0.000000e+00> : vector<128xf32>
      %reduce_sum3A_256 = vector.multi_reduction <add>, %convert_element_type3A_254, %reduce_sum3A_255 [1] : vector<128x1000xf32> to vector<128xf32>
      %broadcast_in_dim3A_257 = vector.shape_cast %reduce_sum3A_256 : vector<128xf32> to vector<128x1xf32>
      %add3A_258 = arith.addf %get3A_253, %broadcast_in_dim3A_257 : vector<128x1xf32>
      %swap3A_259 = arith.index_cast %add3A_133 : i32 to index
      %swap3A_260 = arith.constant 4 : index
      %swap3A_261 = vector.load %arg10[%swap3A_259, %swap3A_260] : memref<1024x8xf32, #tpu.memory_space<vmem>>, vector<128x1xf32>
      tpu.vector_store %arg10[%swap3A_259, %swap3A_260], %add3A_258 {strides = array<i32>} : memref<1024x8xf32, #tpu.memory_space<vmem>>, vector<128x1xf32>,
      %while3A_262 = arith.constant 0 : i32
      scf.yield %while3A_262 : i32
    }
    return
  }
  func.func @transform_0(%arg0: i32) -> (i32, i32, i32) {
    %c0_i32 = arith.constant 0 : i32
    %c0_i32_0 = arith.constant 0 : i32
    %c0_i32_1 = arith.constant 0 : i32
    return %arg0, %c0_i32, %c0_i32_0 : i32, i32, i32
  }
  func.func @transform_1(%arg0: i32) -> (i32, i32) {
    %c0_i32 = arith.constant 0 : i32
    %c0_i32_0 = arith.constant 0 : i32
    return %arg0, %c0_i32 : i32, i32
  }
  func.func @transform_2(%arg0: i32) -> (i32, i32) {
    %c0_i32 = arith.constant 0 : i32
    %c0_i32_0 = arith.constant 0 : i32
    %c0_i32_1 = arith.constant 0 : i32
    return %c0_i32, %c0_i32_0 : i32, i32
  }
  func.func @transform_3(%arg0: i32) -> (i32, i32) {
    %c0_i32 = arith.constant 0 : i32
    %c0_i32_0 = arith.constant 0 : i32
    %c0_i32_1 = arith.constant 0 : i32
    return %c0_i32, %c0_i32_0 : i32, i32
  }
  func.func @transform_4(%arg0: i32) -> (i32, i32) {
    %c0_i32 = arith.constant 0 : i32
    %c0_i32_0 = arith.constant 0 : i32
    %c0_i32_1 = arith.constant 0 : i32
    return %c0_i32, %c0_i32_0 : i32, i32
  }
  func.func @transform_5(%arg0: i32) -> (i32, i32) {
    %c0_i32 = arith.constant 0 : i32
    %c0_i32_0 = arith.constant 0 : i32
    %c0_i32_1 = arith.constant 0 : i32
    return %c0_i32, %c0_i32_0 : i32, i32
  }
  func.func @transform_6(%arg0: i32) -> (i32, i32) {
    %c0_i32 = arith.constant 0 : i32
    %c0_i32_0 = arith.constant 0 : i32
    %c0_i32_1 = arith.constant 0 : i32
    return %c0_i32, %c0_i32_0 : i32, i32
  }
  func.func @transform_7(%arg0: i32) -> (i32, i32) {
    %c0_i32 = arith.constant 0 : i32
    %c0_i32_0 = arith.constant 0 : i32
    %c0_i32_1 = arith.constant 0 : i32
    return %c0_i32, %c0_i32_0 : i32, i32
  }
  func.func @transform_8(%arg0: i32) -> (i32, i32, i32) {
    %c0_i32 = arith.constant 0 : i32
    %c0_i32_0 = arith.constant 0 : i32
    %c0_i32_1 = arith.constant 0 : i32
    %c0_i32_2 = arith.constant 0 : i32
    return %c0_i32, %c0_i32_0, %c0_i32_1 : i32, i32, i32
  }
  func.func @transform_9(%arg0: i32) -> (i32, i32) {
    %c0_i32 = arith.constant 0 : i32
    %c0_i32_0 = arith.constant 0 : i32
    %c0_i32_1 = arith.constant 0 : i32
    return %c0_i32, %c0_i32_0 : i32, i32
  }
}

module attributes {stable_mosaic.version = 14 : i64} {
  func.func @_finish_body(%arg0: memref<1024x256xf32, #tpu.memory_space<vmem>>, %arg1: memref<4x1024x256xf32, #tpu.memory_space<vmem>>, %arg2: memref<1024x8xf32, #tpu.memory_space<vmem>>, %arg3: memref<32x1024xf32, #tpu.memory_space<vmem>>, %arg4: memref<256x768xf32, #tpu.memory_space<vmem>>, %arg5: memref<256x768xf32, #tpu.memory_space<vmem>>, %arg6: memref<2x768xf32, #tpu.memory_space<vmem>>, %arg7: memref<1024x256xf32, #tpu.memory_space<vmem>>) attributes {dimension_semantics = [], scalar_prefetch = 0 : i64, scratch_operands = 0 : i64, tpu.core_type = #tpu.core_type<tc>} {
    %get3A = arith.constant 0 : index
    %get3A_0 = arith.constant 0 : index
    %get3A_1 = vector.load %arg3[%get3A, %get3A_0] : memref<32x1024xf32, #tpu.memory_space<vmem>>, vector<32x1024xf32>
    %reduce_sum3A = arith.constant dense<0.000000e+00> : vector<1024xf32>
    %reduce_sum3A_2 = vector.multi_reduction <add>, %get3A_1, %reduce_sum3A [0] : vector<32x1024xf32> to vector<1024xf32>
    %broadcast_in_dim3A = vector.shape_cast %reduce_sum3A_2 : vector<1024xf32> to vector<1x1024xf32>
    %transpose3A = tpu.transpose %broadcast_in_dim3A, [1, 0] : vector<1x1024xf32> -> vector<1024x1xf32>
    %get3A_3 = arith.constant 0 : index
    %get3A_4 = arith.constant 0 : index
    %get3A_5 = vector.load %arg0[%get3A_3, %get3A_4] : memref<1024x256xf32, #tpu.memory_space<vmem>>, vector<1024x256xf32>
    %max3A = arith.constant 1.000000e+00 : f32
    %max3A_6 = vector.broadcast %max3A : f32 to vector<1024x1xf32>
    %max3A_7 = arith.maximumf %transpose3A, %max3A_6 : vector<1024x1xf32>
    %div3A = vector.broadcast %max3A_7 : vector<1024x1xf32> to vector<1024x256xf32>
    %div3A_8 = arith.divf %get3A_5, %div3A : vector<1024x256xf32>
    %get3A_9 = arith.constant 0 : index
    %get3A_10 = arith.constant 1 : index
    %get3A_11 = vector.load %arg2[%get3A_9, %get3A_10] : memref<1024x8xf32, #tpu.memory_space<vmem>>, vector<1024x1xf32>
    %get3A_12 = arith.constant 0 : index
    %get3A_13 = arith.constant 0 : index
    %get3A_14 = arith.constant 0 : index
    %get3A_15 = vector.load %arg1[%get3A_12, %get3A_13, %get3A_14] : memref<4x1024x256xf32, #tpu.memory_space<vmem>>, vector<1x1024x256xf32>
    %get3A_16 = vector.shape_cast %get3A_15 : vector<1x1024x256xf32> to vector<1024x256xf32>
    %add3A = arith.constant 9.99999971E-10 : f32
    %add3A_17 = vector.broadcast %add3A : f32 to vector<1024x1xf32>
    %add3A_18 = arith.addf %get3A_11, %add3A_17 : vector<1024x1xf32>
    %div3A_19 = vector.broadcast %add3A_18 : vector<1024x1xf32> to vector<1024x256xf32>
    %div3A_20 = arith.divf %get3A_16, %div3A_19 : vector<1024x256xf32>
    %gt3A = arith.constant 0.000000e+00 : f32
    %gt3A_21 = vector.broadcast %gt3A : f32 to vector<1024x256xf32>
    %gt3A_22 = arith.cmpf ogt, %div3A_20, %gt3A_21 : vector<1024x256xf32>
    %min3A = arith.constant 0.000000e+00 : f32
    %min3A_23 = vector.broadcast %min3A : f32 to vector<1024x256xf32>
    %min3A_24 = arith.minimumf %div3A_20, %min3A_23 : vector<1024x256xf32>
    %exp3A = math.exp %min3A_24 : vector<1024x256xf32>
    %sub3A = arith.constant 1.000000e+00 : f32
    %sub3A_25 = vector.broadcast %sub3A : f32 to vector<1024x256xf32>
    %sub3A_26 = arith.subf %exp3A, %sub3A_25 : vector<1024x256xf32>
    %select_n3A = arith.select %gt3A_22, %div3A_20, %sub3A_26 : vector<1024x256xi1>, vector<1024x256xf32>
    %get3A_27 = arith.constant 0 : index
    %get3A_28 = arith.constant 0 : index
    %get3A_29 = vector.load %arg4[%get3A_27, %get3A_28] : memref<256x768xf32, #tpu.memory_space<vmem>>, vector<256x768xf32>
    %dot_general3A = arith.constant dense<0.000000e+00> : vector<1024x768xf32>
    %dot_general3A_30 = tpu.matmul %select_n3A, %get3A_29, %dot_general3A {dimension_numbers = #tpu.dot_dimension_numbers<[1], [0], [0], [1], [0, 0, 1, 1], [], []>, transpose_lhs_hint = false} : vector<1024x256xf32>, vector<256x768xf32>, vector<1024x768xf32> -> vector<1024x768xf32>
    %get3A_31 = arith.constant 0 : index
    %get3A_32 = arith.constant 0 : index
    %get3A_33 = vector.load %arg6[%get3A_31, %get3A_32] : memref<2x768xf32, #tpu.memory_space<vmem>>, vector<1x768xf32>
    %add3A_34 = vector.broadcast %get3A_33 : vector<1x768xf32> to vector<1024x768xf32>
    %add3A_35 = arith.addf %dot_general3A_30, %add3A_34 : vector<1024x768xf32>
    %get3A_36 = arith.constant 0 : index
    %get3A_37 = arith.constant 0 : index
    %get3A_38 = vector.load %arg5[%get3A_36, %get3A_37] : memref<256x768xf32, #tpu.memory_space<vmem>>, vector<256x768xf32>
    %dot_general3A_39 = arith.constant dense<0.000000e+00> : vector<1024x768xf32>
    %dot_general3A_40 = tpu.matmul %div3A_8, %get3A_38, %dot_general3A_39 {dimension_numbers = #tpu.dot_dimension_numbers<[1], [0], [0], [1], [0, 0, 1, 1], [], []>, transpose_lhs_hint = false} : vector<1024x256xf32>, vector<256x768xf32>, vector<1024x768xf32> -> vector<1024x768xf32>
    %get3A_41 = arith.constant 1 : index
    %get3A_42 = arith.constant 0 : index
    %get3A_43 = vector.load %arg6[%get3A_41, %get3A_42] : memref<2x768xf32, #tpu.memory_space<vmem>>, vector<1x768xf32>
    %add3A_44 = vector.broadcast %get3A_43 : vector<1x768xf32> to vector<1024x768xf32>
    %add3A_45 = arith.addf %dot_general3A_40, %add3A_44 : vector<1024x768xf32>
    %slice3A = vector.extract_strided_slice %add3A_35 {offsets = [0, 0], sizes = [1024, 256], strides = [1, 1]} : vector<1024x768xf32> to vector<1024x256xf32>
    %slice3A_46 = vector.extract_strided_slice %add3A_45 {offsets = [0, 0], sizes = [1024, 256], strides = [1, 1]} : vector<1024x768xf32> to vector<1024x256xf32>
    %add3A_47 = arith.addf %slice3A, %slice3A_46 : vector<1024x256xf32>
    %logistic3A = arith.negf %add3A_47 : vector<1024x256xf32>
    %logistic3A_48 = math.exp %logistic3A : vector<1024x256xf32>
    %logistic3A_49 = arith.constant 1.000000e+00 : f32
    %logistic3A_50 = vector.broadcast %logistic3A_49 : f32 to vector<1024x256xf32>
    %logistic3A_51 = arith.addf %logistic3A_50, %logistic3A_48 : vector<1024x256xf32>
    %logistic3A_52 = arith.divf %logistic3A_50, %logistic3A_51 : vector<1024x256xf32>
    %slice3A_53 = vector.extract_strided_slice %add3A_35 {offsets = [0, 256], sizes = [1024, 256], strides = [1, 1]} : vector<1024x768xf32> to vector<1024x256xf32>
    %slice3A_54 = vector.extract_strided_slice %add3A_45 {offsets = [0, 256], sizes = [1024, 256], strides = [1, 1]} : vector<1024x768xf32> to vector<1024x256xf32>
    %add3A_55 = arith.addf %slice3A_53, %slice3A_54 : vector<1024x256xf32>
    %logistic3A_56 = arith.negf %add3A_55 : vector<1024x256xf32>
    %logistic3A_57 = math.exp %logistic3A_56 : vector<1024x256xf32>
    %logistic3A_58 = arith.constant 1.000000e+00 : f32
    %logistic3A_59 = vector.broadcast %logistic3A_58 : f32 to vector<1024x256xf32>
    %logistic3A_60 = arith.addf %logistic3A_59, %logistic3A_57 : vector<1024x256xf32>
    %logistic3A_61 = arith.divf %logistic3A_59, %logistic3A_60 : vector<1024x256xf32>
    %slice3A_62 = vector.extract_strided_slice %add3A_35 {offsets = [0, 512], sizes = [1024, 256], strides = [1, 1]} : vector<1024x768xf32> to vector<1024x256xf32>
    %slice3A_63 = vector.extract_strided_slice %add3A_45 {offsets = [0, 512], sizes = [1024, 256], strides = [1, 1]} : vector<1024x768xf32> to vector<1024x256xf32>
    %mul3A = arith.mulf %logistic3A_61, %slice3A_63 : vector<1024x256xf32>
    %add3A_64 = arith.addf %slice3A_62, %mul3A : vector<1024x256xf32>
    %tanh3A = math.tanh %add3A_64 : vector<1024x256xf32>
    %mul3A_65 = arith.mulf %logistic3A_52, %div3A_8 : vector<1024x256xf32>
    %sub3A_66 = arith.constant 1.000000e+00 : f32
    %sub3A_67 = vector.broadcast %sub3A_66 : f32 to vector<1024x256xf32>
    %sub3A_68 = arith.subf %sub3A_67, %logistic3A_52 : vector<1024x256xf32>
    %mul3A_69 = arith.mulf %sub3A_68, %tanh3A : vector<1024x256xf32>
    %add3A_70 = arith.addf %mul3A_65, %mul3A_69 : vector<1024x256xf32>
    %max3A_71 = arith.constant 0.000000e+00 : f32
    %max3A_72 = vector.broadcast %max3A_71 : f32 to vector<1024x256xf32>
    %max3A_73 = arith.maximumf %add3A_70, %max3A_72 : vector<1024x256xf32>
    %get3A_74 = arith.constant 0 : index
    %get3A_75 = arith.constant 2 : index
    %get3A_76 = vector.load %arg2[%get3A_74, %get3A_75] : memref<1024x8xf32, #tpu.memory_space<vmem>>, vector<1024x1xf32>
    %get3A_77 = arith.constant 1 : index
    %get3A_78 = arith.constant 0 : index
    %get3A_79 = arith.constant 0 : index
    %get3A_80 = vector.load %arg1[%get3A_77, %get3A_78, %get3A_79] : memref<4x1024x256xf32, #tpu.memory_space<vmem>>, vector<1x1024x256xf32>
    %get3A_81 = vector.shape_cast %get3A_80 : vector<1x1024x256xf32> to vector<1024x256xf32>
    %add3A_82 = arith.constant 9.99999971E-10 : f32
    %add3A_83 = vector.broadcast %add3A_82 : f32 to vector<1024x1xf32>
    %add3A_84 = arith.addf %get3A_76, %add3A_83 : vector<1024x1xf32>
    %div3A_85 = vector.broadcast %add3A_84 : vector<1024x1xf32> to vector<1024x256xf32>
    %div3A_86 = arith.divf %get3A_81, %div3A_85 : vector<1024x256xf32>
    %gt3A_87 = arith.constant 0.000000e+00 : f32
    %gt3A_88 = vector.broadcast %gt3A_87 : f32 to vector<1024x256xf32>
    %gt3A_89 = arith.cmpf ogt, %div3A_86, %gt3A_88 : vector<1024x256xf32>
    %min3A_90 = arith.constant 0.000000e+00 : f32
    %min3A_91 = vector.broadcast %min3A_90 : f32 to vector<1024x256xf32>
    %min3A_92 = arith.minimumf %div3A_86, %min3A_91 : vector<1024x256xf32>
    %exp3A_93 = math.exp %min3A_92 : vector<1024x256xf32>
    %sub3A_94 = arith.constant 1.000000e+00 : f32
    %sub3A_95 = vector.broadcast %sub3A_94 : f32 to vector<1024x256xf32>
    %sub3A_96 = arith.subf %exp3A_93, %sub3A_95 : vector<1024x256xf32>
    %select_n3A_97 = arith.select %gt3A_89, %div3A_86, %sub3A_96 : vector<1024x256xi1>, vector<1024x256xf32>
    %get3A_98 = arith.constant 0 : index
    %get3A_99 = arith.constant 0 : index
    %get3A_100 = vector.load %arg4[%get3A_98, %get3A_99] : memref<256x768xf32, #tpu.memory_space<vmem>>, vector<256x768xf32>
    %dot_general3A_101 = arith.constant dense<0.000000e+00> : vector<1024x768xf32>
    %dot_general3A_102 = tpu.matmul %select_n3A_97, %get3A_100, %dot_general3A_101 {dimension_numbers = #tpu.dot_dimension_numbers<[1], [0], [0], [1], [0, 0, 1, 1], [], []>, transpose_lhs_hint = false} : vector<1024x256xf32>, vector<256x768xf32>, vector<1024x768xf32> -> vector<1024x768xf32>
    %get3A_103 = arith.constant 0 : index
    %get3A_104 = arith.constant 0 : index
    %get3A_105 = vector.load %arg6[%get3A_103, %get3A_104] : memref<2x768xf32, #tpu.memory_space<vmem>>, vector<1x768xf32>
    %add3A_106 = vector.broadcast %get3A_105 : vector<1x768xf32> to vector<1024x768xf32>
    %add3A_107 = arith.addf %dot_general3A_102, %add3A_106 : vector<1024x768xf32>
    %get3A_108 = arith.constant 0 : index
    %get3A_109 = arith.constant 0 : index
    %get3A_110 = vector.load %arg5[%get3A_108, %get3A_109] : memref<256x768xf32, #tpu.memory_space<vmem>>, vector<256x768xf32>
    %dot_general3A_111 = arith.constant dense<0.000000e+00> : vector<1024x768xf32>
    %dot_general3A_112 = tpu.matmul %max3A_73, %get3A_110, %dot_general3A_111 {dimension_numbers = #tpu.dot_dimension_numbers<[1], [0], [0], [1], [0, 0, 1, 1], [], []>, transpose_lhs_hint = false} : vector<1024x256xf32>, vector<256x768xf32>, vector<1024x768xf32> -> vector<1024x768xf32>
    %get3A_113 = arith.constant 1 : index
    %get3A_114 = arith.constant 0 : index
    %get3A_115 = vector.load %arg6[%get3A_113, %get3A_114] : memref<2x768xf32, #tpu.memory_space<vmem>>, vector<1x768xf32>
    %add3A_116 = vector.broadcast %get3A_115 : vector<1x768xf32> to vector<1024x768xf32>
    %add3A_117 = arith.addf %dot_general3A_112, %add3A_116 : vector<1024x768xf32>
    %slice3A_118 = vector.extract_strided_slice %add3A_107 {offsets = [0, 0], sizes = [1024, 256], strides = [1, 1]} : vector<1024x768xf32> to vector<1024x256xf32>
    %slice3A_119 = vector.extract_strided_slice %add3A_117 {offsets = [0, 0], sizes = [1024, 256], strides = [1, 1]} : vector<1024x768xf32> to vector<1024x256xf32>
    %add3A_120 = arith.addf %slice3A_118, %slice3A_119 : vector<1024x256xf32>
    %logistic3A_121 = arith.negf %add3A_120 : vector<1024x256xf32>
    %logistic3A_122 = math.exp %logistic3A_121 : vector<1024x256xf32>
    %logistic3A_123 = arith.constant 1.000000e+00 : f32
    %logistic3A_124 = vector.broadcast %logistic3A_123 : f32 to vector<1024x256xf32>
    %logistic3A_125 = arith.addf %logistic3A_124, %logistic3A_122 : vector<1024x256xf32>
    %logistic3A_126 = arith.divf %logistic3A_124, %logistic3A_125 : vector<1024x256xf32>
    %slice3A_127 = vector.extract_strided_slice %add3A_107 {offsets = [0, 256], sizes = [1024, 256], strides = [1, 1]} : vector<1024x768xf32> to vector<1024x256xf32>
    %slice3A_128 = vector.extract_strided_slice %add3A_117 {offsets = [0, 256], sizes = [1024, 256], strides = [1, 1]} : vector<1024x768xf32> to vector<1024x256xf32>
    %add3A_129 = arith.addf %slice3A_127, %slice3A_128 : vector<1024x256xf32>
    %logistic3A_130 = arith.negf %add3A_129 : vector<1024x256xf32>
    %logistic3A_131 = math.exp %logistic3A_130 : vector<1024x256xf32>
    %logistic3A_132 = arith.constant 1.000000e+00 : f32
    %logistic3A_133 = vector.broadcast %logistic3A_132 : f32 to vector<1024x256xf32>
    %logistic3A_134 = arith.addf %logistic3A_133, %logistic3A_131 : vector<1024x256xf32>
    %logistic3A_135 = arith.divf %logistic3A_133, %logistic3A_134 : vector<1024x256xf32>
    %slice3A_136 = vector.extract_strided_slice %add3A_107 {offsets = [0, 512], sizes = [1024, 256], strides = [1, 1]} : vector<1024x768xf32> to vector<1024x256xf32>
    %slice3A_137 = vector.extract_strided_slice %add3A_117 {offsets = [0, 512], sizes = [1024, 256], strides = [1, 1]} : vector<1024x768xf32> to vector<1024x256xf32>
    %mul3A_138 = arith.mulf %logistic3A_135, %slice3A_137 : vector<1024x256xf32>
    %add3A_139 = arith.addf %slice3A_136, %mul3A_138 : vector<1024x256xf32>
    %tanh3A_140 = math.tanh %add3A_139 : vector<1024x256xf32>
    %mul3A_141 = arith.mulf %logistic3A_126, %max3A_73 : vector<1024x256xf32>
    %sub3A_142 = arith.constant 1.000000e+00 : f32
    %sub3A_143 = vector.broadcast %sub3A_142 : f32 to vector<1024x256xf32>
    %sub3A_144 = arith.subf %sub3A_143, %logistic3A_126 : vector<1024x256xf32>
    %mul3A_145 = arith.mulf %sub3A_144, %tanh3A_140 : vector<1024x256xf32>
    %add3A_146 = arith.addf %mul3A_141, %mul3A_145 : vector<1024x256xf32>
    %max3A_147 = arith.constant 0.000000e+00 : f32
    %max3A_148 = vector.broadcast %max3A_147 : f32 to vector<1024x256xf32>
    %max3A_149 = arith.maximumf %add3A_146, %max3A_148 : vector<1024x256xf32>
    %get3A_150 = arith.constant 0 : index
    %get3A_151 = arith.constant 3 : index
    %get3A_152 = vector.load %arg2[%get3A_150, %get3A_151] : memref<1024x8xf32, #tpu.memory_space<vmem>>, vector<1024x1xf32>
    %get3A_153 = arith.constant 2 : index
    %get3A_154 = arith.constant 0 : index
    %get3A_155 = arith.constant 0 : index
    %get3A_156 = vector.load %arg1[%get3A_153, %get3A_154, %get3A_155] : memref<4x1024x256xf32, #tpu.memory_space<vmem>>, vector<1x1024x256xf32>
    %get3A_157 = vector.shape_cast %get3A_156 : vector<1x1024x256xf32> to vector<1024x256xf32>
    %add3A_158 = arith.constant 9.99999971E-10 : f32
    %add3A_159 = vector.broadcast %add3A_158 : f32 to vector<1024x1xf32>
    %add3A_160 = arith.addf %get3A_152, %add3A_159 : vector<1024x1xf32>
    %div3A_161 = vector.broadcast %add3A_160 : vector<1024x1xf32> to vector<1024x256xf32>
    %div3A_162 = arith.divf %get3A_157, %div3A_161 : vector<1024x256xf32>
    %gt3A_163 = arith.constant 0.000000e+00 : f32
    %gt3A_164 = vector.broadcast %gt3A_163 : f32 to vector<1024x256xf32>
    %gt3A_165 = arith.cmpf ogt, %div3A_162, %gt3A_164 : vector<1024x256xf32>
    %min3A_166 = arith.constant 0.000000e+00 : f32
    %min3A_167 = vector.broadcast %min3A_166 : f32 to vector<1024x256xf32>
    %min3A_168 = arith.minimumf %div3A_162, %min3A_167 : vector<1024x256xf32>
    %exp3A_169 = math.exp %min3A_168 : vector<1024x256xf32>
    %sub3A_170 = arith.constant 1.000000e+00 : f32
    %sub3A_171 = vector.broadcast %sub3A_170 : f32 to vector<1024x256xf32>
    %sub3A_172 = arith.subf %exp3A_169, %sub3A_171 : vector<1024x256xf32>
    %select_n3A_173 = arith.select %gt3A_165, %div3A_162, %sub3A_172 : vector<1024x256xi1>, vector<1024x256xf32>
    %get3A_174 = arith.constant 0 : index
    %get3A_175 = arith.constant 0 : index
    %get3A_176 = vector.load %arg4[%get3A_174, %get3A_175] : memref<256x768xf32, #tpu.memory_space<vmem>>, vector<256x768xf32>
    %dot_general3A_177 = arith.constant dense<0.000000e+00> : vector<1024x768xf32>
    %dot_general3A_178 = tpu.matmul %select_n3A_173, %get3A_176, %dot_general3A_177 {dimension_numbers = #tpu.dot_dimension_numbers<[1], [0], [0], [1], [0, 0, 1, 1], [], []>, transpose_lhs_hint = false} : vector<1024x256xf32>, vector<256x768xf32>, vector<1024x768xf32> -> vector<1024x768xf32>
    %get3A_179 = arith.constant 0 : index
    %get3A_180 = arith.constant 0 : index
    %get3A_181 = vector.load %arg6[%get3A_179, %get3A_180] : memref<2x768xf32, #tpu.memory_space<vmem>>, vector<1x768xf32>
    %add3A_182 = vector.broadcast %get3A_181 : vector<1x768xf32> to vector<1024x768xf32>
    %add3A_183 = arith.addf %dot_general3A_178, %add3A_182 : vector<1024x768xf32>
    %get3A_184 = arith.constant 0 : index
    %get3A_185 = arith.constant 0 : index
    %get3A_186 = vector.load %arg5[%get3A_184, %get3A_185] : memref<256x768xf32, #tpu.memory_space<vmem>>, vector<256x768xf32>
    %dot_general3A_187 = arith.constant dense<0.000000e+00> : vector<1024x768xf32>
    %dot_general3A_188 = tpu.matmul %max3A_149, %get3A_186, %dot_general3A_187 {dimension_numbers = #tpu.dot_dimension_numbers<[1], [0], [0], [1], [0, 0, 1, 1], [], []>, transpose_lhs_hint = false} : vector<1024x256xf32>, vector<256x768xf32>, vector<1024x768xf32> -> vector<1024x768xf32>
    %get3A_189 = arith.constant 1 : index
    %get3A_190 = arith.constant 0 : index
    %get3A_191 = vector.load %arg6[%get3A_189, %get3A_190] : memref<2x768xf32, #tpu.memory_space<vmem>>, vector<1x768xf32>
    %add3A_192 = vector.broadcast %get3A_191 : vector<1x768xf32> to vector<1024x768xf32>
    %add3A_193 = arith.addf %dot_general3A_188, %add3A_192 : vector<1024x768xf32>
    %slice3A_194 = vector.extract_strided_slice %add3A_183 {offsets = [0, 0], sizes = [1024, 256], strides = [1, 1]} : vector<1024x768xf32> to vector<1024x256xf32>
    %slice3A_195 = vector.extract_strided_slice %add3A_193 {offsets = [0, 0], sizes = [1024, 256], strides = [1, 1]} : vector<1024x768xf32> to vector<1024x256xf32>
    %add3A_196 = arith.addf %slice3A_194, %slice3A_195 : vector<1024x256xf32>
    %logistic3A_197 = arith.negf %add3A_196 : vector<1024x256xf32>
    %logistic3A_198 = math.exp %logistic3A_197 : vector<1024x256xf32>
    %logistic3A_199 = arith.constant 1.000000e+00 : f32
    %logistic3A_200 = vector.broadcast %logistic3A_199 : f32 to vector<1024x256xf32>
    %logistic3A_201 = arith.addf %logistic3A_200, %logistic3A_198 : vector<1024x256xf32>
    %logistic3A_202 = arith.divf %logistic3A_200, %logistic3A_201 : vector<1024x256xf32>
    %slice3A_203 = vector.extract_strided_slice %add3A_183 {offsets = [0, 256], sizes = [1024, 256], strides = [1, 1]} : vector<1024x768xf32> to vector<1024x256xf32>
    %slice3A_204 = vector.extract_strided_slice %add3A_193 {offsets = [0, 256], sizes = [1024, 256], strides = [1, 1]} : vector<1024x768xf32> to vector<1024x256xf32>
    %add3A_205 = arith.addf %slice3A_203, %slice3A_204 : vector<1024x256xf32>
    %logistic3A_206 = arith.negf %add3A_205 : vector<1024x256xf32>
    %logistic3A_207 = math.exp %logistic3A_206 : vector<1024x256xf32>
    %logistic3A_208 = arith.constant 1.000000e+00 : f32
    %logistic3A_209 = vector.broadcast %logistic3A_208 : f32 to vector<1024x256xf32>
    %logistic3A_210 = arith.addf %logistic3A_209, %logistic3A_207 : vector<1024x256xf32>
    %logistic3A_211 = arith.divf %logistic3A_209, %logistic3A_210 : vector<1024x256xf32>
    %slice3A_212 = vector.extract_strided_slice %add3A_183 {offsets = [0, 512], sizes = [1024, 256], strides = [1, 1]} : vector<1024x768xf32> to vector<1024x256xf32>
    %slice3A_213 = vector.extract_strided_slice %add3A_193 {offsets = [0, 512], sizes = [1024, 256], strides = [1, 1]} : vector<1024x768xf32> to vector<1024x256xf32>
    %mul3A_214 = arith.mulf %logistic3A_211, %slice3A_213 : vector<1024x256xf32>
    %add3A_215 = arith.addf %slice3A_212, %mul3A_214 : vector<1024x256xf32>
    %tanh3A_216 = math.tanh %add3A_215 : vector<1024x256xf32>
    %mul3A_217 = arith.mulf %logistic3A_202, %max3A_149 : vector<1024x256xf32>
    %sub3A_218 = arith.constant 1.000000e+00 : f32
    %sub3A_219 = vector.broadcast %sub3A_218 : f32 to vector<1024x256xf32>
    %sub3A_220 = arith.subf %sub3A_219, %logistic3A_202 : vector<1024x256xf32>
    %mul3A_221 = arith.mulf %sub3A_220, %tanh3A_216 : vector<1024x256xf32>
    %add3A_222 = arith.addf %mul3A_217, %mul3A_221 : vector<1024x256xf32>
    %max3A_223 = arith.constant 0.000000e+00 : f32
    %max3A_224 = vector.broadcast %max3A_223 : f32 to vector<1024x256xf32>
    %max3A_225 = arith.maximumf %add3A_222, %max3A_224 : vector<1024x256xf32>
    %get3A_226 = arith.constant 0 : index
    %get3A_227 = arith.constant 4 : index
    %get3A_228 = vector.load %arg2[%get3A_226, %get3A_227] : memref<1024x8xf32, #tpu.memory_space<vmem>>, vector<1024x1xf32>
    %get3A_229 = arith.constant 3 : index
    %get3A_230 = arith.constant 0 : index
    %get3A_231 = arith.constant 0 : index
    %get3A_232 = vector.load %arg1[%get3A_229, %get3A_230, %get3A_231] : memref<4x1024x256xf32, #tpu.memory_space<vmem>>, vector<1x1024x256xf32>
    %get3A_233 = vector.shape_cast %get3A_232 : vector<1x1024x256xf32> to vector<1024x256xf32>
    %add3A_234 = arith.constant 9.99999971E-10 : f32
    %add3A_235 = vector.broadcast %add3A_234 : f32 to vector<1024x1xf32>
    %add3A_236 = arith.addf %get3A_228, %add3A_235 : vector<1024x1xf32>
    %div3A_237 = vector.broadcast %add3A_236 : vector<1024x1xf32> to vector<1024x256xf32>
    %div3A_238 = arith.divf %get3A_233, %div3A_237 : vector<1024x256xf32>
    %gt3A_239 = arith.constant 0.000000e+00 : f32
    %gt3A_240 = vector.broadcast %gt3A_239 : f32 to vector<1024x256xf32>
    %gt3A_241 = arith.cmpf ogt, %div3A_238, %gt3A_240 : vector<1024x256xf32>
    %min3A_242 = arith.constant 0.000000e+00 : f32
    %min3A_243 = vector.broadcast %min3A_242 : f32 to vector<1024x256xf32>
    %min3A_244 = arith.minimumf %div3A_238, %min3A_243 : vector<1024x256xf32>
    %exp3A_245 = math.exp %min3A_244 : vector<1024x256xf32>
    %sub3A_246 = arith.constant 1.000000e+00 : f32
    %sub3A_247 = vector.broadcast %sub3A_246 : f32 to vector<1024x256xf32>
    %sub3A_248 = arith.subf %exp3A_245, %sub3A_247 : vector<1024x256xf32>
    %select_n3A_249 = arith.select %gt3A_241, %div3A_238, %sub3A_248 : vector<1024x256xi1>, vector<1024x256xf32>
    %get3A_250 = arith.constant 0 : index
    %get3A_251 = arith.constant 0 : index
    %get3A_252 = vector.load %arg4[%get3A_250, %get3A_251] : memref<256x768xf32, #tpu.memory_space<vmem>>, vector<256x768xf32>
    %dot_general3A_253 = arith.constant dense<0.000000e+00> : vector<1024x768xf32>
    %dot_general3A_254 = tpu.matmul %select_n3A_249, %get3A_252, %dot_general3A_253 {dimension_numbers = #tpu.dot_dimension_numbers<[1], [0], [0], [1], [0, 0, 1, 1], [], []>, transpose_lhs_hint = false} : vector<1024x256xf32>, vector<256x768xf32>, vector<1024x768xf32> -> vector<1024x768xf32>
    %get3A_255 = arith.constant 0 : index
    %get3A_256 = arith.constant 0 : index
    %get3A_257 = vector.load %arg6[%get3A_255, %get3A_256] : memref<2x768xf32, #tpu.memory_space<vmem>>, vector<1x768xf32>
    %add3A_258 = vector.broadcast %get3A_257 : vector<1x768xf32> to vector<1024x768xf32>
    %add3A_259 = arith.addf %dot_general3A_254, %add3A_258 : vector<1024x768xf32>
    %get3A_260 = arith.constant 0 : index
    %get3A_261 = arith.constant 0 : index
    %get3A_262 = vector.load %arg5[%get3A_260, %get3A_261] : memref<256x768xf32, #tpu.memory_space<vmem>>, vector<256x768xf32>
    %dot_general3A_263 = arith.constant dense<0.000000e+00> : vector<1024x768xf32>
    %dot_general3A_264 = tpu.matmul %max3A_225, %get3A_262, %dot_general3A_263 {dimension_numbers = #tpu.dot_dimension_numbers<[1], [0], [0], [1], [0, 0, 1, 1], [], []>, transpose_lhs_hint = false} : vector<1024x256xf32>, vector<256x768xf32>, vector<1024x768xf32> -> vector<1024x768xf32>
    %get3A_265 = arith.constant 1 : index
    %get3A_266 = arith.constant 0 : index
    %get3A_267 = vector.load %arg6[%get3A_265, %get3A_266] : memref<2x768xf32, #tpu.memory_space<vmem>>, vector<1x768xf32>
    %add3A_268 = vector.broadcast %get3A_267 : vector<1x768xf32> to vector<1024x768xf32>
    %add3A_269 = arith.addf %dot_general3A_264, %add3A_268 : vector<1024x768xf32>
    %slice3A_270 = vector.extract_strided_slice %add3A_259 {offsets = [0, 0], sizes = [1024, 256], strides = [1, 1]} : vector<1024x768xf32> to vector<1024x256xf32>
    %slice3A_271 = vector.extract_strided_slice %add3A_269 {offsets = [0, 0], sizes = [1024, 256], strides = [1, 1]} : vector<1024x768xf32> to vector<1024x256xf32>
    %add3A_272 = arith.addf %slice3A_270, %slice3A_271 : vector<1024x256xf32>
    %logistic3A_273 = arith.negf %add3A_272 : vector<1024x256xf32>
    %logistic3A_274 = math.exp %logistic3A_273 : vector<1024x256xf32>
    %logistic3A_275 = arith.constant 1.000000e+00 : f32
    %logistic3A_276 = vector.broadcast %logistic3A_275 : f32 to vector<1024x256xf32>
    %logistic3A_277 = arith.addf %logistic3A_276, %logistic3A_274 : vector<1024x256xf32>
    %logistic3A_278 = arith.divf %logistic3A_276, %logistic3A_277 : vector<1024x256xf32>
    %slice3A_279 = vector.extract_strided_slice %add3A_259 {offsets = [0, 256], sizes = [1024, 256], strides = [1, 1]} : vector<1024x768xf32> to vector<1024x256xf32>
    %slice3A_280 = vector.extract_strided_slice %add3A_269 {offsets = [0, 256], sizes = [1024, 256], strides = [1, 1]} : vector<1024x768xf32> to vector<1024x256xf32>
    %add3A_281 = arith.addf %slice3A_279, %slice3A_280 : vector<1024x256xf32>
    %logistic3A_282 = arith.negf %add3A_281 : vector<1024x256xf32>
    %logistic3A_283 = math.exp %logistic3A_282 : vector<1024x256xf32>
    %logistic3A_284 = arith.constant 1.000000e+00 : f32
    %logistic3A_285 = vector.broadcast %logistic3A_284 : f32 to vector<1024x256xf32>
    %logistic3A_286 = arith.addf %logistic3A_285, %logistic3A_283 : vector<1024x256xf32>
    %logistic3A_287 = arith.divf %logistic3A_285, %logistic3A_286 : vector<1024x256xf32>
    %slice3A_288 = vector.extract_strided_slice %add3A_259 {offsets = [0, 512], sizes = [1024, 256], strides = [1, 1]} : vector<1024x768xf32> to vector<1024x256xf32>
    %slice3A_289 = vector.extract_strided_slice %add3A_269 {offsets = [0, 512], sizes = [1024, 256], strides = [1, 1]} : vector<1024x768xf32> to vector<1024x256xf32>
    %mul3A_290 = arith.mulf %logistic3A_287, %slice3A_289 : vector<1024x256xf32>
    %add3A_291 = arith.addf %slice3A_288, %mul3A_290 : vector<1024x256xf32>
    %tanh3A_292 = math.tanh %add3A_291 : vector<1024x256xf32>
    %mul3A_293 = arith.mulf %logistic3A_278, %max3A_225 : vector<1024x256xf32>
    %sub3A_294 = arith.constant 1.000000e+00 : f32
    %sub3A_295 = vector.broadcast %sub3A_294 : f32 to vector<1024x256xf32>
    %sub3A_296 = arith.subf %sub3A_295, %logistic3A_278 : vector<1024x256xf32>
    %mul3A_297 = arith.mulf %sub3A_296, %tanh3A_292 : vector<1024x256xf32>
    %add3A_298 = arith.addf %mul3A_293, %mul3A_297 : vector<1024x256xf32>
    %max3A_299 = arith.constant 0.000000e+00 : f32
    %max3A_300 = vector.broadcast %max3A_299 : f32 to vector<1024x256xf32>
    %max3A_301 = arith.maximumf %add3A_298, %max3A_300 : vector<1024x256xf32>
    %swap3A = arith.constant 0 : index
    %swap3A_302 = arith.constant 0 : index
    %swap3A_303 = vector.load %arg7[%swap3A, %swap3A_302] : memref<1024x256xf32, #tpu.memory_space<vmem>>, vector<1024x256xf32>
    tpu.vector_store %arg7[%swap3A, %swap3A_302], %max3A_301 {strides = array<i32>} : memref<1024x256xf32, #tpu.memory_space<vmem>>, vector<1024x256xf32>,
    return
  }
}

</mosaic_0001>

<sc_bundles>
// kernel: kernel.5.cloned.1.call-start
scs
__scs_entry_jumppad:
0x0: {  	(pc) =	sbr.rel $0x88, $3  }
0x1: {  	(tag) =	ssettag $0x0;
	lr =	simm.s32 $0x1  }
0x2: {  	[smem:$0x3F97] =	sst lr;
	_ =	strace $0xD0000000  }
0x3: {  	_ = 	snop  }
0x4: {  	_ = 	snop  }
0x5: {  	_ = 	snop  }
0x6: {  	_ = 	snop  }
0x7: {  	_ = 	snop  }
__scs_overlays_trampoline_lowered:
0x8: {  	[smem:$0x3FA6] =	sst s0  }
0x9: {  	[smem:$0x3FA7] =	sst s1  }
0xa: {  	[smem:$0x3FA8] =	sst s2  }
0xb: {  	[smem:$0x3FA9] =	sst s3  }
0xc: {  	[smem:$0x3FAA] =	sst s4  }
0xd: {  	[smem:$0x3FAB] =	sst s5  }
0xe: {  	[smem:$0x3FAC] =	sst s6  }
0xf: {  	[smem:$0x3FAD] =	sst s7  }
0x10: {  	[smem:$0x3FAE] =	sst s8  }
0x11: {  	[smem:$0x3FAF] =	sst s9;
	s0 =	simm.s32 @!p0 $0x0  }
0x12: {  	s1 =	sld [smem:$0x3F95];
	s0 =	simm.s32 @p0 $0x1  }
0x13: {  	[smem:$0x3FB0] =	sst s0;
	s0 =	simm.s32 @!p1 $0x0  }
0x14: {  	s2 =	sld [smem:$0x3F94];
	s0 =	simm.s32 @p1 $0x1  }
0x15: {  	[smem:$0x3FB1] =	sst s0;
	s0 =	simm.s32 @!p2 $0x0  }
0x16: {  	s3 =	sld [smem:$0x3FDB];
	s0 =	simm.s32 @p2 $0x1  }
0x17: {  	s4 =	simm.s32 $0x1BF5;
	[smem:$0x3FB3] =	sst s0  }
0x18: {  	s0 =	sld [smem:$0x3F96];
	_ =	swait.ge [sflag:s4], $0x0  }
0x19: {  	s7 =	sld [smem:$0x3F97]  }
0x1a: {  	s8 =	sadd.s32 $0xFFFFE003, lr  }
0x1b: {  	s9 =	sadd.s32 $0xFFFFFEF7, lr;
	s5 =	simm.s32 $0xFFFFFFFF;
	p2 =	slt.u32 s8, $0xFFFFF086  }
0x1c: {  	p1 =	slt.u32 s9, $0xF7A;
	s5 =	simm.s32 @!p2 $0x0  }
0x1d: {  	s5 =	simm.s32 @p1 $0x1;
	p0 =	seq.s32 s7, s2  }
0x1e: {  	s7 =	smul.u32 @!p0 $0xF7A, s2;
	p2 =	seq.s32 @!p0 s5, $0x0  }
0x1f: {  	s9 =	smul.u32 $0xF7A, s1;
	s8 =	simm.s32 @!p0 $0x1BF5;
	p2 =	por !p2, p0  }
0x20: {  	[sflag:s8] =	ssyncset.s32 @!p0 $0xFFFFF086;
	s6 =	sadd.s32 @!p0 s3, s7;
	s7 =	simm.s32 @!p0 $0x108  }
0x21: {  	s3 =	sadd.s32 s3, s9;
	s6 =	sadd.s32 @!p0 $0x88, s6;
	s7 =	simm.s32 @p2 $0x1082  }
0x22: {  	[simem:s7], [sflag:s8] =	dma.local @!p0 [hbm:s6], $0xF7A  }
0x23: {  	s9 =	sor.u32 $0xD0000000, s2;
	s6 =	simm.s32 $0x108;
	_ =	swait.ge @!p0 [sflag:s8], $0x0  }
0x24: {  	s3 =	sadd.s32 $0x88, s3;
	s6 =	simm.s32 @!p1 $0x1082;
	[sflag:s4] =	ssyncset.s32 $0xFFFFF086  }
0x25: {  	[simem:s6], [sflag:s4] =	dma.local [hbm:s3], $0xF7A  }
0x26: {  	[smem:$0x3F97] =	sst s1;
	(tag) =	ssettag s2;
	_ =	strace s9  }
0x27: {  	s1 =	sld [smem:$0x3FA7]  }
0x28: {  	s2 =	sld [smem:$0x3FA8]  }
0x29: {  	s4 =	sld [smem:$0x3FAA]  }
0x2a: {  	p0 =	seq.s32 s5, $0x0;
	s5 =	sld [smem:$0x3FAB]  }
0x2b: {  	s6 =	sld [smem:$0x3FAC]  }
0x2c: {  	s7 =	sld [smem:$0x3FAD]  }
0x2d: {  	s3 =	simm.s32 $0x108;
	s8 =	sld [smem:$0x3FAE]  }
0x2e: {  	s3 =	simm.s32 @!p0 $0x1082;
	s9 =	sld [smem:$0x3FAF]  }
0x2f: {  	lr =	sadd.s32 s0, s3;
	s0 =	sld [smem:$0x3FA6]  }
0x30: {  	s3 =	sld [smem:$0x3FA9]  }
0x31: {  	[smem:$0x3FB2] =	sst s10  }
0x32: {  	s10 =	sld [smem:$0x3FB0];
	_ =	sdelay $0x3  }
0x33: {  	p0 =	seq.s32 s10, $0x1;
	s10 =	sld [smem:$0x3FB2];
	_ =	sdelay $0x3  }
0x34: {  	[smem:$0x3FB2] =	sst s10  }
0x35: {  	s10 =	sld [smem:$0x3FB1];
	_ =	sdelay $0x3  }
0x36: {  	p1 =	seq.s32 s10, $0x1;
	s10 =	sld [smem:$0x3FB2];
	_ =	sdelay $0x3  }
0x37: {  	[smem:$0x3FB2] =	sst s10  }
0x38: {  	s10 =	sld [smem:$0x3FB3]  }
0x39: {  	_ = 	snop;
	(pc) =	sbr.ind lr, $3  }
0x3a: {  	_ = 	snop  }
0x3b: {  	_ = 	snop  }
0x3c: {  	p2 =	seq.s32 s10, $0x1;
	s10 =	sld [smem:$0x3FB2]  }
0x3d: {  	_ =	shalt  }
0x3e: {  	_ =	shalt  }
0x3f: {  	_ =	shalt  }
0x40: {  	_ =	shalt  }
0x41: {  	_ =	shalt  }
0x42: {  	_ =	shalt  }
0x43: {  	_ =	shalt  }
0x44: {  	_ =	shalt  }
0x45: {  	_ =	shalt  }
0x46: {  	_ =	shalt  }
0x47: {  	_ =	shalt  }
0x48: {  	_ =	shalt  }
0x49: {  	_ =	shalt  }
0x4a: {  	_ =	shalt  }
0x4b: {  	_ =	shalt  }
0x4c: {  	_ =	shalt  }
0x4d: {  	_ =	shalt  }
0x4e: {  	_ =	shalt  }
0x4f: {  	_ =	shalt  }
0x50: {  	_ =	shalt  }
0x51: {  	_ =	shalt  }
0x52: {  	_ =	shalt  }
0x53: {  	_ =	shalt  }
0x54: {  	_ =	shalt  }
0x55: {  	_ =	shalt  }
0x56: {  	_ =	shalt  }
0x57: {  	_ =	shalt  }
0x58: {  	_ =	shalt  }
0x59: {  	_ =	shalt  }
0x5a: {  	_ =	shalt  }
0x5b: {  	_ =	shalt  }
0x5c: {  	_ =	shalt  }
0x5d: {  	_ =	shalt  }
0x5e: {  	_ =	shalt  }
0x5f: {  	_ =	shalt  }
0x60: {  	_ =	shalt  }
0x61: {  	_ =	shalt  }
0x62: {  	_ =	shalt  }
0x63: {  	_ =	shalt  }
0x64: {  	_ =	shalt  }
0x65: {  	_ =	shalt  }
0x66: {  	_ =	shalt  }
0x67: {  	_ =	shalt  }
0x68: {  	_ =	shalt  }
0x69: {  	_ =	shalt  }
0x6a: {  	_ =	shalt  }
0x6b: {  	_ =	shalt  }
0x6c: {  	_ =	shalt  }
0x6d: {  	_ =	shalt  }
0x6e: {  	_ =	shalt  }
0x6f: {  	_ =	shalt  }
0x70: {  	_ =	shalt  }
0x71: {  	_ =	shalt  }
0x72: {  	_ =	shalt  }
0x73: {  	_ =	shalt  }
0x74: {  	_ =	shalt  }
0x75: {  	_ =	shalt  }
0x76: {  	_ =	shalt  }
0x77: {  	_ =	shalt  }
0x78: {  	_ =	shalt  }
0x79: {  	_ =	shalt  }
0x7a: {  	_ =	shalt  }
0x7b: {  	_ =	shalt  }
0x7c: {  	_ =	shalt  }
0x7d: {  	_ =	shalt  }
0x7e: {  	_ =	shalt  }
0x7f: {  	_ =	shalt  }
0x80: {  	_ =	shalt  }
0x81: {  	_ =	shalt  }
0x82: {  	_ =	shalt  }
0x83: {  	_ =	shalt  }
0x84: {  	_ =	shalt  }
0x85: {  	_ =	shalt  }
0x86: {  	_ =	shalt  }
0x87: {  	_ =	shalt  }
.Lfunc_end0:
.L_simem_size_0:
called_computation_lowered:
.L_overlay_start_0:
0x88: {  	s2 =	sld [smem:$0x3FD9]  }
0x89: {  	s3 =	sld [smem:$0x3FFE];
	_ =	sdelay $0x1  }
0x8a: {  	s1 =	srdreg.scid  }
0x8b: {  	s0 =	sand.u32 $0x1, s1  }
0x8c: {  	s18 =	sshll.u32 s0, $0xA;
	s2 =	sadd.s32 s3, s2  }
0x8d: {  	s2 =	sadd.s32 s2, s18  }
0x8e: {  	[smem:$0x3FBE] =	sst s2  }
0x8f: {  	_ = 	snop  }
0x90: {  	s2 =	sld [smem:$0x3FC8]  }
0x91: {  	s19 =	sld [smem:$0x3FD0];
	(tm) =	ssettm $0x1  }
0x92: {  	s4 =	sld [smem:$0x3FFB];
	_ =	sdelay $0x3  }
0x93: {  	_ =	strace s4  }
0x94: {  	s4 =	sld [smem:$0x3FFC];
	_ =	sdelay $0x3  }
0x95: {  	_ =	strace s4  }
0x96: {  	s4 =	sld [smem:$0x3FFD];
	_ =	sdelay $0x3  }
0x97: {  	_ =	strace s4  }
0x98: {  	_ =	strace $0x8FFFFFFF  }
0x99: {  	s20 =	sld [smem:$0x3FDB];
	_ =	sdelay $0x1  }
0x9a: {  	s5 =	simm.s32 $_scs_section_size  }
0x9b: {  	s6 =	simm.s32 $_size__tile_overlayer_lowered;
	s7 =	simm.s32 $_tile_overlayer_lowered  }
0x9c: {  	s23 =	simm.s32 $0x1BFF;
	s22 =	sshll.u32 s7, $0x1;
	s4 =	sadd.s32 s5, s20  }
0x9d: {  	s8 =	simm.s32 $0x0;
	s21 =	sshll.u32 s6, $0x1;
	s6 =	sadd.s32 s22, s4  }
0x9e: {  	[timem:s8], [sflag:s23] =	dma.local [hbm:s6], s21  }
0x9f: {  	_ =	swait.ge [sflag:s23], s21  }
0xa0: {  	s5 =	ssub.s32 $0x0, s21;
	[sflag:s23] =	ssyncset.done $0x0  }
0xa1: {  	[sflag:s23] =	ssyncadd.s32 s5;
	_ =	sdelay $0x1  }
0xa2: {  	s24 =	simm.s32 $0x1B8B  }
0xa3: {  	_ =	swait.ge [sflag:s24], $0x1  }
0xa4: {  	[sflag:s24] =	ssyncset.done $0x0  }
0xa5: {  	s25 =	simm.s32 $0x1B8E;
	[sflag:s24] =	ssyncadd.s32 $0xFFFFFFFF  }
0xa6: {  	s26 =	simm.s32 $execute0_lowered;
	[smem:$0x3FD2] =	sst s25  }
0xa7: {  	s5 =	sshll.u32 s26, $0x1;
	_ =	strace $0x80000046;
	[dreg:$0x1] =	wrdreg $0xFFFFFFFF  }
0xa8: {  	s28 =	simm.s32 $_size_execute0_lowered;
	s4 =	sadd.s32 s4, s5;
	[dreg:$0x0] =	wrdreg $0x0  }
0xa9: {  	s5 =	sshll.u32 s28, $0x1;
	[dreg:$0x2] =	wrdreg s4  }
0xaa: {  	[dreg:$0x3] =	wrdreg s5  }
0xab: {  	[dreg:$0x4] =	wrdreg $0xC0  }
0xac: {  	_ =	task [dreg:s8], $0x5FFFF  }
0xad: {  	[dreg:$0x1] =	wrdreg $0xFFFFFFFF  }
0xae: {  	[dreg:$0x0] =	wrdreg $0x60  }
0xaf: {  	[dreg:$0x2] =	wrdreg s2  }
0xb0: {  	[dreg:$0x3] =	wrdreg s19  }
0xb1: {  	[dreg:$0x4] =	wrdreg $0x9  }
0xb2: {  	_ =	task.clear_ibuf [dreg:s8], $0x5FFFF;
	_ =	strace $0x90000046  }
0xb3: {  	s29 =	simm.s32 $0x9;
	_ =	strace $0x80000048  }
0xb4: {  	_ =	swait.ge [sflag:s29], $0x1  }
0xb5: {  	[sflag:s29] =	ssyncadd.s32 $0xFFFFFFFF  }
0xb6: {  	_ =	strace $0x90000048  }
0xb7: {  	_ =	sfence  }
0xb8: {  	s30 =	sld [smem:$0x0];
	_ =	sdelay $0x2  }
0xb9: {  	s31 =	sshll.u32 s1, $0xD;
	s1 =	sshrl.u32 s1, $0x2  }
0xba: {  	s3 =	sand.u32 $0x4000, s31;
	s1 =	sadd.s32 s1, s30  }
0xbb: {  	s0 =	sor.u32 s3, s0;
	s1 =	sshll.u32 s1, $0x11  }
0xbc: {  	s0 =	sor.u32 s1, s0  }
0xbd: {  	s0 =	sadd.s32 $0x8F2B, s0  }
0xbe: {  	[sflag:s0] =	ssyncadd.remote.s32 $0x1  }
0xbf: {  	_ =	sfence.sel $0xFFFF  }
0xc0: {  	[dreg:$0x0] =	wrdreg $0xFFFFFFFF;
	(pc) =	sbr.abs _section_cstart, $3  }
0xc1: {  	[dreg:$0x1] =	wrdreg $0xFFFFFFFF  }
0xc2: {  	_ =	task.clear_ibuf [dreg:s8], $0x2FFFF;
	_ =	strace $0x9FFFFFFF  }
0xc3: {  	(tm) =	ssettm $0x7FFFFFFF  }
tec
execute0_lowered:
.L_overlay_start_1:
0x0: {  	(tag) =	ssettag $0x1  }
0x1: {  	s3 =	rddreg [dreg:$0x0]  }
0x2: {  	s4 =	rddreg [dreg:$0x1]  }
0x3: {  	s0 =	rddreg [dreg:$0x2]  }
0x4: {  	s5 =	srdreg.scid;
	s1 =	stileid.u32  }
0x5: {  	s2 =	simm.s32 $0x0;
	s5 =	sand.u32 $0x1, s5;
	s6 =	sshll.u32 s1, $0x1  }
0x6: {  	[smem:$0x7FF] =	sst s2;
	s30 =	sshll.u32 s1, $0x8;
	s6 =	sor.u32 s5, s6  }
0x7: {  	_ =	strace $0x80000047;
	s7 =	ssub.s32 $0x2, s5;
	s8 =	smul.u32 $0xFA, s6  }
.Ltmp0:
0x8: {  	s5 =	sand.u32 $0xC00, s30;
	s9 =	sshll.u32 s6, $0x4;
	(pc) =	sbr.rel .LBB2_1-.Ltmp0, $4  }
0x9: {  	s4 =	sadd.s32 s4, s5;
	s31 =	sshrl.u32 s7, $0x1;
	p0 =	sgt.u32 s6, $0x18  }
0xa: {  	s6 =	simm.s32 $0x1;
	s9 =	sand.u32 $0x70, s9;
	s5 =	ssub.s32 s7, s31  }
0xb: {  	s7 =	simm.s32 $0x800;
	s3 =	sadd.s32 s3, s8;
	s4 =	sadd.s32 s9, s4  }
0xc: {  	v0 =	vimm.f32 $0.0e+00;
	v1 =	vimm.f32 $1.000000000e+00;
	s5 =	smax.u32 s5, $0x1;
	s8 =	simm.s32 $0x80;
	s9 =	simm.s32 $0x400  }
.LBB2_4:
0xd: {  	v2 =	vld [tilespmem:s11+$0x0];
	_ =	sdelay $0x7  }
0xe: {  	[tilespmem:v2+s7+$0x0] =	vst.idx.add.f32.msk $0xffff, v1  }
.LBB2_5:
0xf: {  	s2 =	sadd.s32 $0x1, s2  }
0x10: {  	p1 =	sne.s32 s2, s5  }
.Ltmp1:
0x11: {  	_ = 	snop;
	(pc) =	sbr.rel @!p1 .LBB2_6-.Ltmp1, $4  }
0x12: {  	[hbm4b:s4+s8] =	stream.strided.scatter [tilespmem:s7], [sflag:$0x1], $0x400, s9, s8, $0x38;
	[tilespmem:$0xC00] =	vst v63  }
0x13: {  	_ =	swait.ge [sflag:s6], $0x400  }
0x14: {  	[sflag:s6] =	ssyncset.done $0x0  }
0x15: {  	[sflag:s6] =	ssyncadd.s32 $0xFFFFFC00  }
.LBB2_1:
0x16: {  	[tilespmem:$0x800] =	vst v0  }
0x17: {  	[tilespmem:$0x810] =	vst v0  }
0x18: {  	[tilespmem:$0x820] =	vst v0  }
0x19: {  	[tilespmem:$0x830] =	vst v0  }
0x1a: {  	[tilespmem:$0x840] =	vst v0  }
0x1b: {  	[tilespmem:$0x850] =	vst v0  }
0x1c: {  	[tilespmem:$0x860] =	vst v0  }
0x1d: {  	[tilespmem:$0x870] =	vst v0  }
0x1e: {  	[tilespmem:$0x880] =	vst v0  }
0x1f: {  	[tilespmem:$0x890] =	vst v0  }
0x20: {  	[tilespmem:$0x8A0] =	vst v0  }
0x21: {  	[tilespmem:$0x8B0] =	vst v0  }
0x22: {  	[tilespmem:$0x8C0] =	vst v0  }
0x23: {  	[tilespmem:$0x8D0] =	vst v0  }
0x24: {  	[tilespmem:$0x8E0] =	vst v0  }
0x25: {  	[tilespmem:$0x8F0] =	vst v0  }
0x26: {  	[tilespmem:$0x900] =	vst v0  }
0x27: {  	[tilespmem:$0x910] =	vst v0  }
0x28: {  	[tilespmem:$0x920] =	vst v0  }
0x29: {  	[tilespmem:$0x930] =	vst v0  }
0x2a: {  	[tilespmem:$0x940] =	vst v0  }
0x2b: {  	[tilespmem:$0x950] =	vst v0  }
0x2c: {  	[tilespmem:$0x960] =	vst v0  }
0x2d: {  	[tilespmem:$0x970] =	vst v0  }
0x2e: {  	[tilespmem:$0x980] =	vst v0  }
0x2f: {  	[tilespmem:$0x990] =	vst v0  }
0x30: {  	[tilespmem:$0x9A0] =	vst v0  }
0x31: {  	[tilespmem:$0x9B0] =	vst v0  }
0x32: {  	[tilespmem:$0x9C0] =	vst v0  }
0x33: {  	[tilespmem:$0x9D0] =	vst v0  }
0x34: {  	[tilespmem:$0x9E0] =	vst v0  }
0x35: {  	[tilespmem:$0x9F0] =	vst v0  }
0x36: {  	[tilespmem:$0xA00] =	vst v0  }
0x37: {  	[tilespmem:$0xA10] =	vst v0  }
0x38: {  	[tilespmem:$0xA20] =	vst v0  }
0x39: {  	[tilespmem:$0xA30] =	vst v0  }
0x3a: {  	[tilespmem:$0xA40] =	vst v0  }
0x3b: {  	[tilespmem:$0xA50] =	vst v0  }
0x3c: {  	[tilespmem:$0xA60] =	vst v0  }
0x3d: {  	[tilespmem:$0xA70] =	vst v0  }
0x3e: {  	[tilespmem:$0xA80] =	vst v0  }
0x3f: {  	[tilespmem:$0xA90] =	vst v0  }
0x40: {  	[tilespmem:$0xAA0] =	vst v0  }
0x41: {  	[tilespmem:$0xAB0] =	vst v0  }
0x42: {  	[tilespmem:$0xAC0] =	vst v0  }
0x43: {  	[tilespmem:$0xAD0] =	vst v0  }
0x44: {  	[tilespmem:$0xAE0] =	vst v0  }
0x45: {  	[tilespmem:$0xAF0] =	vst v0  }
0x46: {  	[tilespmem:$0xB00] =	vst v0  }
0x47: {  	[tilespmem:$0xB10] =	vst v0  }
0x48: {  	[tilespmem:$0xB20] =	vst v0  }
0x49: {  	[tilespmem:$0xB30] =	vst v0  }
0x4a: {  	[tilespmem:$0xB40] =	vst v0  }
0x4b: {  	[tilespmem:$0xB50] =	vst v0  }
0x4c: {  	[tilespmem:$0xB60] =	vst v0  }
0x4d: {  	[tilespmem:$0xB70] =	vst v0  }
0x4e: {  	[tilespmem:$0xB80] =	vst v0  }
0x4f: {  	[tilespmem:$0xB90] =	vst v0  }
0x50: {  	[tilespmem:$0xBA0] =	vst v0  }
.Ltmp2:
0x51: {  	[tilespmem:$0xBB0] =	vst v0;
	(pc) =	sbr.rel @p0 .LBB2_5-.Ltmp2, $4  }
0x52: {  	[tilespmem:$0xBC0] =	vst v0  }
0x53: {  	[tilespmem:$0xBD0] =	vst v0  }
0x54: {  	[tilespmem:$0xBE0] =	vst v0  }
0x55: {  	[tilespmem:$0xBF0] =	vst v0  }
0x56: {  	s10 =	simm.s32 $0x0  }
0x57: {  	[tilespmem:s10], [sflag:$0x1] =	stream.linear.gather [hbm4b:s3+s10], $0x7D0, $0x38;
	[tilespmem:$0xC00] =	vst v63  }
0x58: {  	_ =	swait.ge [sflag:s6], $0x7D0  }
0x59: {  	[sflag:s6] =	ssyncset.done $0x0  }
0x5a: {  	s11 =	simm.s32 $0x0;
	s10 =	simm.s32 $0x40;
	[sflag:s6] =	ssyncadd.s32 $0xFFFFF830  }
.LBB2_3:
0x5b: {  	p1 =	sne.s32 s10, $0x1F00;
	v2 =	vld [tilespmem:s11+$0x0];
	_ =	sdelay $0x3  }
.Ltmp3:
0x5c: {  	(pc) =	sbr.rel @p1 .LBB2_3-.Ltmp3, $2  }
0x5d: {  	_ =	sdelay $0x2  }
0x5e: {  	s11 =	sshra.s32 s10, $0x2;
	s10 =	sadd.s32 $0x40, s10;
	[tilespmem:v2+s7+$0x0] =	vst.idx.add.f32.msk $0xffff, v1  }
.Ltmp4:
0x5f: {  	_ = 	snop;
	(pc) =	sbr.rel .LBB2_4-.Ltmp4, $1  }
0x60: {  	_ =	sdelay $0x3  }
.LBB2_6:
0x61: {  	_ =	sfence.sel $0x180000  }
0x62: {  	[bflag:$0x0] =	sbarrier.arrive $0xFFFF  }
0x63: {  	p0 =	sne.s32 s1, $0x0;
	_ =	strace $0x90000047  }
0x64: {  	s0 =	sadd.s32 @!p0 $0x100000, s0;
	[bflag:$0x2] =	sbarrier.arrive $0xFFFF  }
0x65: {  	[sflag:s0] =	ssyncadd.tile.s32 @!p0 $0x1;
	_ =	shalt  }
.Lfunc_end2:
_tile_overlayer_lowered:
.L_overlay_start_2:
0x66: {  	(tag) =	ssettag $0x2  }
0x67: {  	s0 =	rddreg [dreg:$0x0];
	s2 =	stileid.u32  }
0x68: {  	s1 =	rddreg [dreg:$0x1];
	p0 =	sne.s32 s2, $0x0  }
0x69: {  	s3 =	rddreg [dreg:$0x2];
	[bflag:$0x3] =	sbarrier.arrive $0xFFFF;
	s2 =	simm.s32 @!p0 $0x1C01  }
0x6a: {  	[timem:s3], [sflag:s2] =	dma.local @!p0 [hbm:s0], s1  }
0x6b: {  	s0 =	simm.s32 @!p0 $0x1  }
0x6c: {  	_ =	swait.ge @!p0 [sflag:s0], s1  }
0x6d: {  	s1 =	ssub.s32 @!p0 $0x0, s1;
	[sflag:s0] =	ssyncset.done @!p0 $0x0  }
0x6e: {  	[sflag:s0] =	ssyncadd.s32 @!p0 s1  }
0x6f: {  	[bflag:$0x3] =	sbarrier.arrive $0xFFFF  }
0x70: {  	_ =	shalt  }

</sc_bundles>
